<compile_context>
chip_gen: v7x
topology: tpu7x:2x2x1
jax: 0.10.2.dev20260603
libtpu: 0.0.44.dev20260713+nightly
codegen_flags: <defaults>
</compile_context>

<pallas_src>
import jax
import jax.numpy as jnp
from jax import lax
from jax.experimental import pallas as pl
from jax.experimental.pallas import tpu as pltpu
from jax.experimental.pallas import tpu_sc as plsc

N = 10000
E = 320000
D = 128
NC = 2
NS = 16
NW = NC * NS
EP = E // NW
C = 128
NCHUNK = EP // C
CR = EP - NCHUNK * C
NP = 10112
RPT = NP // NS
NB = 1000
NBE = 128


def _att_body(x_ref, v_ref, b_ref, o_ref):
    o_ref[...] = jnp.dot(x_ref[...], v_ref[...],
                         preferred_element_type=jnp.float32) + b_ref[...]


def _att_scalars(x, vmat, bvec):
    return pl.pallas_call(
        _att_body,
        grid=(N // NB,),
        in_specs=[
            pl.BlockSpec((NB, D), lambda i: (i, 0)),
            pl.BlockSpec((D, D), lambda i: (0, 0)),
            pl.BlockSpec((1, D), lambda i: (0, 0)),
        ],
        out_specs=pl.BlockSpec((NB, D), lambda i: (i, 0)),
        out_shape=jax.ShapeDtypeStruct((N, D), jnp.float32),
    )(x, vmat, bvec)


def _sc_body(x_hbm, asrc_hbm, adst_hbm, src_hbm, dst_hbm, sp_hbm,
             acc_out, flg_out,
             asrc_v, adst_v, srcb, dstb, spb, attb, rows,
             srcb_r, dstb_r, spb_r, rows_r, flagb, sem,
             accS):
    cid = lax.axis_index("c")
    sid = lax.axis_index("s")
    wid = sid * NC + cid
    zero16 = jnp.zeros((16,), jnp.float32)
    one16 = jnp.full((16,), 1.0, jnp.float32)

    pltpu.sync_copy(asrc_hbm, asrc_v)
    pltpu.sync_copy(adst_hbm, adst_v)

    @pl.loop(0, C)
    def _zrows(e):
        for f in range(D // 16):
            rows[e, pl.ds(f * 16, 16)] = zero16

    @pl.loop(0, NP // 16)
    def _zflag(g):
        flagb[pl.ds(g * 16, 16)] = zero16

    base = sid * RPT
    for k in range(RPT // C):
        pltpu.sync_copy(rows, accS.at[pl.ds(base + k * C, C)])
    ZR = RPT - (RPT // C) * C
    pltpu.sync_copy(rows.at[pl.ds(0, ZR)],
                    accS.at[pl.ds(base + RPT - ZR, ZR)])

    plsc.subcore_barrier()

    ebase = wid * EP

    @pl.loop(0, NCHUNK)
    def _chunk(i):
        off = ebase + i * C
        pltpu.sync_copy(src_hbm.at[pl.ds(off, C)], srcb)
        pltpu.sync_copy(dst_hbm.at[pl.ds(off, C)], dstb)
        pltpu.sync_copy(sp_hbm.at[pl.ds(off, C)], spb)
        pltpu.async_copy(x_hbm.at[spb], rows, sem).wait()

        for g in range(C // 16):
            sv = srcb[pl.ds(g * 16, 16)]
            dv = dstb[pl.ds(g * 16, 16)]
            z = plsc.load_gather(asrc_v, [sv]) + plsc.load_gather(adst_v, [dv])
            z = jnp.maximum(z, jnp.float32(0))
            attb[pl.ds(g * 16, 16)] = 1.0 / (1.0 + jnp.exp(-z))
            plsc.store_scatter(flagb, [dv], one16)

        @pl.loop(0, C, unroll=4)
        def _scale(e):
            av = plsc.load_gather(attb, [jnp.full((16,), e, jnp.int32)])
            for f in range(D // 16):
                rows[e, pl.ds(f * 16, 16)] = rows[e, pl.ds(f * 16, 16)] * av

        pltpu.sync_copy(rows, accS.at[dstb], add=True)

    roff = ebase + NCHUNK * C
    pltpu.sync_copy(src_hbm.at[pl.ds(roff, CR)], srcb_r)
    pltpu.sync_copy(dst_hbm.at[pl.ds(roff, CR)], dstb_r)
    pltpu.sync_copy(sp_hbm.at[pl.ds(roff, CR)], spb_r)
    pltpu.async_copy(x_hbm.at[spb_r], rows_r, sem).wait()
    sv = srcb_r[pl.ds(0, 16)]
    dv = dstb_r[pl.ds(0, 16)]
    z = plsc.load_gather(asrc_v, [sv]) + plsc.load_gather(adst_v, [dv])
    z = jnp.maximum(z, jnp.float32(0))
    attb[pl.ds(0, 16)] = 1.0 / (1.0 + jnp.exp(-z))
    plsc.store_scatter(flagb, [dv], one16)

    @pl.loop(0, CR)
    def _scale_r(e):
        av = plsc.load_gather(attb, [jnp.full((16,), e, jnp.int32)])
        for f in range(D // 16):
            rows_r[e, pl.ds(f * 16, 16)] = rows_r[e, pl.ds(f * 16, 16)] * av

    pltpu.sync_copy(rows_r, accS.at[dstb_r], add=True)

    plsc.subcore_barrier()

    for k in range(RPT // C):
        r = base + k * C
        pltpu.sync_copy(accS.at[pl.ds(r, C)], rows)
        pltpu.sync_copy(rows, acc_out.at[cid, pl.ds(r, C)])
    TR = RPT - (RPT // C) * C
    pltpu.sync_copy(accS.at[pl.ds(base + RPT - TR, TR)], rows.at[pl.ds(0, TR)])
    pltpu.sync_copy(rows.at[pl.ds(0, TR)],
                    acc_out.at[cid, pl.ds(base + RPT - TR, TR)])
    pltpu.sync_copy(flagb, flg_out.at[cid, sid])


_sc_edges = pl.kernel(
    _sc_body,
    out_type=(
        jax.ShapeDtypeStruct((NC, NP, D), jnp.float32),
        jax.ShapeDtypeStruct((NC, NS, NP), jnp.float32),
    ),
    mesh=plsc.VectorSubcoreMesh(core_axis_name="c", subcore_axis_name="s"),
    compiler_params=pltpu.CompilerParams(needs_layout_passes=False),
    scratch_types=[
        pltpu.VMEM((N,), jnp.float32),
        pltpu.VMEM((N,), jnp.float32),
        pltpu.VMEM((C,), jnp.int32),
        pltpu.VMEM((C,), jnp.int32),
        pltpu.VMEM((C,), jnp.int32),
        pltpu.VMEM((C,), jnp.float32),
        pltpu.VMEM((C, D), jnp.float32),
        pltpu.VMEM((16,), jnp.int32),
        pltpu.VMEM((16,), jnp.int32),
        pltpu.VMEM((16,), jnp.int32),
        pltpu.VMEM((16, D), jnp.float32),
        pltpu.VMEM((NP,), jnp.float32),
        pltpu.SemaphoreType.DMA,
        pltpu.VMEM_SHARED((NP, D), jnp.float32),
    ],
)


def _out_body(acc_ref, flg_ref, x_ref, norm_ref, w_ref, lw_ref, ew_ref, o_ref):
    acc = acc_ref[0] + acc_ref[1]
    flg = jnp.sum(flg_ref[...], axis=(0, 1))[:, None]
    agg = jnp.dot(acc, w_ref[...], preferred_element_type=jnp.float32)
    x = x_ref[...]
    lm = jnp.where(flg > 0,
                   jnp.dot(x, lw_ref[...], preferred_element_type=jnp.float32),
                   jnp.dot(x, ew_ref[...], preferred_element_type=jnp.float32))
    o_ref[...] = jnp.tanh(agg * norm_ref[...] + lm)


def _epilogue(acc2, flg2, x, norm2, W, loop_w, evolve_loop_w):
    return pl.pallas_call(
        _out_body,
        grid=(NP // NBE,),
        in_specs=[
            pl.BlockSpec((NC, NBE, D), lambda i: (0, i, 0)),
            pl.BlockSpec((NC, NS, NBE), lambda i: (0, 0, i)),
            pl.BlockSpec((NBE, D), lambda i: (i, 0)),
            pl.BlockSpec((NBE, 1), lambda i: (i, 0)),
            pl.BlockSpec((D, D), lambda i: (0, 0)),
            pl.BlockSpec((D, D), lambda i: (0, 0)),
            pl.BlockSpec((D, D), lambda i: (0, 0)),
        ],
        out_specs=pl.BlockSpec((NBE, D), lambda i: (i, 0)),
        out_shape=jax.ShapeDtypeStruct((NP, D), jnp.float32),
    )(acc2, flg2, x, norm2, W, loop_w, evolve_loop_w)


@jax.jit
def kernel(x, prev_h, norm, W, att_w, att_b, loop_w, evolve_loop_w,
           edge_index, etype):
    src = edge_index[0]
    dst = edge_index[1]
    sp = src[jnp.argsort(etype)].astype(jnp.int32)

    vmat = jnp.zeros((D, D), jnp.float32)
    vmat = vmat.at[:, 0].set(att_w[0, :D]).at[:, 1].set(att_w[0, D:])
    bvec = jnp.zeros((1, D), jnp.float32).at[0, 1].set(att_b[0])

    a = _att_scalars(x, vmat, bvec)
    a_src = a[:, 0]
    a_dst = a[:, 1]

    acc2, flg2 = _sc_edges(x, a_src, a_dst,
                           src.astype(jnp.int32), dst.astype(jnp.int32), sp)

    x_pad = jnp.pad(x, ((0, NP - N), (0, 0)))
    norm_pad = jnp.pad(norm, (0, NP - N)).reshape(NP, 1)
    out = _epilogue(acc2, flg2, x_pad, norm_pad, W, loop_w, evolve_loop_w)
    return out[:N]

# --- scband reference (transcript-rebuilt; emitter-appended) ---
"""Pipeline reference for scband-lgcnlayer-69561290326178 (READ-ONLY COPY).

The authoritative reference and input builder live on the scoring server;
editing this copy changes nothing except your own understanding.
"""

import jax, jax.numpy as jnp
import numpy as np

N = 10000
E = 320000
D = 128


def setup_inputs(seed: int = 0) -> dict:
    key = jax.random.key(seed)
    ks = jax.random.split(key, 10)
    x = jax.random.normal(ks[0], (N, D), dtype=jnp.float32)
    prev_h = jax.random.normal(ks[1], (N, D), dtype=jnp.float32)
    norm = jax.random.uniform(ks[2], (N,), dtype=jnp.float32)
    edge_index = jax.random.randint(ks[3], (2, E), 0, N, dtype=jnp.int32)
    etype = jax.random.randint(ks[4], (E,), 0, 4, dtype=jnp.int32)
    scale = 1.0 / np.sqrt(D)
    W = jax.random.normal(ks[5], (D, D), dtype=jnp.float32) * scale
    att_w = jax.random.normal(ks[6], (1, 2 * D), dtype=jnp.float32) * 0.05
    att_b = jnp.zeros((1,), dtype=jnp.float32)
    loop_w = jax.random.normal(ks[7], (D, D), dtype=jnp.float32) * scale
    evolve_loop_w = jax.random.normal(ks[8], (D, D), dtype=jnp.float32) * scale
    return {
        'x': x,
        'prev_h': prev_h,
        'norm': norm,
        'W': W,
        'att_w': att_w,
        'att_b': att_b,
        'loop_w': loop_w,
        'evolve_loop_w': evolve_loop_w,
        'edge_index': edge_index,
        'etype': etype,
    }


def reference(x, prev_h, norm, W, att_w, att_b, loop_w, evolve_loop_w, edge_index, etype):
    # Faithful translation of LGCNLayer.forward (self_loop=True, skip_connect=False,
    # dropout treated as identity / eval mode).
    src = edge_index[0]
    dst = edge_index[1]
    n = x.shape[0]

    # self-loop: nodes with in_degree > 0 use loop_weight, others evolve_loop_weight
    deg_in = jax.ops.segment_sum(jnp.ones_like(dst, dtype=jnp.float32), dst, num_segments=n)
    loop_message = jnp.where((deg_in > 0)[:, None], x @ loop_w, x @ evolve_loop_w)

    # msg_func_e: per-edge attention on (src, dst) features (computed in original edge order)
    h_src = x[src]
    h_dst = x[dst]
    att_logits = jnp.concatenate([h_src, h_dst], axis=1) @ att_w.T + att_b  # [E, 1]
    atten = jax.nn.sigmoid(jax.nn.relu(att_logits))[:, 0]  # [E]

    # msg: torch code gathers edges grouped by etype (0,1,2,3) then concats -> this is a
    # stable sort by etype applied to the src features; all four groups use weight_relation.
    perm = jnp.argsort(etype)  # stable sort, matches cat(where(etype==0),...,where(etype==3))
    msg = h_src[perm] @ W  # [E, D]

    # reduce_func: sum over incoming edges of atten_e * msg_e (matmul of [1,deg]x[deg,D])
    agg = jax.ops.segment_sum(atten[:, None] * msg, dst, num_segments=n)

    # apply_func_e: scale by node norm
    agg = agg * norm[:, None]

    node_repr = agg + loop_message
    node_repr = jnp.tanh(node_repr)
    # dropout: identity in eval mode
    return node_repr

if __name__ == "__main__":
    import jax
    _d = setup_inputs()
    print(jax.jit(kernel)(*tuple(_d.values())))

</pallas_src>

<mosaic_0001>
#map = affine_map<(d0, d1) -> (0, 0)>
#map1 = affine_map<(d0, d1) -> (0)>
#map2 = affine_map<(d0, d1) -> (0, 0, 0)>
module attributes {stable_mosaic.version = 14 : i64} {
  func.func @_sc_body(%arg0: i32, %arg1: i32, %arg2: memref<10000x128xf32, #tpu.memory_space<hbm>>, %arg3: memref<10000xf32, #tpu.memory_space<hbm>>, %arg4: memref<10000xf32, #tpu.memory_space<hbm>>, %arg5: memref<320000xi32, #tpu.memory_space<hbm>>, %arg6: memref<320000xi32, #tpu.memory_space<hbm>>, %arg7: memref<320000xi32, #tpu.memory_space<hbm>>, %arg8: memref<2x10112x128xf32, #tpu.memory_space<hbm>>, %arg9: memref<2x16x10112xf32, #tpu.memory_space<hbm>>, %arg10: memref<10000xf32, #tpu.memory_space<vmem>>, %arg11: memref<10000xf32, #tpu.memory_space<vmem>>, %arg12: memref<128xi32, #tpu.memory_space<vmem>>, %arg13: memref<128xi32, #tpu.memory_space<vmem>>, %arg14: memref<128xi32, #tpu.memory_space<vmem>>, %arg15: memref<128xf32, #tpu.memory_space<vmem>>, %arg16: memref<128x128xf32, #tpu.memory_space<vmem>>, %arg17: memref<16xi32, #tpu.memory_space<vmem>>, %arg18: memref<16xi32, #tpu.memory_space<vmem>>, %arg19: memref<16xi32, #tpu.memory_space<vmem>>, %arg20: memref<16x128xf32, #tpu.memory_space<vmem>>, %arg21: memref<10112xf32, #tpu.memory_space<vmem>>, %arg22: memref<!tpu.dma_semaphore, #tpu.memory_space<semaphore_mem>>, %arg23: memref<10112x128xf32, #tpu.memory_space<vmem_shared>>) attributes {dimension_semantics = [#tpu.dimension_semantics<core_parallel>, #tpu.dimension_semantics<subcore_parallel>], iteration_bounds = array<i64: 2, 16>, scalar_prefetch = 0 : i64, scratch_operands = 14 : i64, tpu.core_type = #tpu.core_type<sc_vector_subcore>, window_params = [{transform_indices = #map}, {transform_indices = #map1}, {transform_indices = #map1}, {transform_indices = #map1}, {transform_indices = #map1}, {transform_indices = #map1}, {transform_indices = #map2}, {transform_indices = #map2}]} {
    %mul3A = arith.constant 2 : i32
    %mul3A_0 = arith.muli %arg1, %mul3A : i32
    %add3A = arith.addi %mul3A_0, %arg0 : i32
    %broadcast_in_dim3A = arith.constant 0.000000e+00 : f32
    %broadcast_in_dim3A_1 = vector.broadcast %broadcast_in_dim3A : f32 to vector<16xf32>
    %broadcast_in_dim3A_2 = arith.constant 1.000000e+00 : f32
    %broadcast_in_dim3A_3 = vector.broadcast %broadcast_in_dim3A_2 : f32 to vector<16xf32>
    "tpu.region"() ({
      %run_scoped3A = tpu.sem_alloc : memref<!tpu.dma_semaphore, #tpu.memory_space<semaphore_mem>>
      tpu.enqueue_dma source(%arg3 : memref<10000xf32, #tpu.memory_space<hbm>>) target(%arg10 : memref<10000xf32, #tpu.memory_space<vmem>>) target_semaphore(%run_scoped3A : memref<!tpu.dma_semaphore, #tpu.memory_space<semaphore_mem>>)
      tpu.wait_dma2 semaphore(%run_scoped3A : memref<!tpu.dma_semaphore, #tpu.memory_space<semaphore_mem>>) src(%arg3 : memref<10000xf32, #tpu.memory_space<hbm>>) dst(%arg10 : memref<10000xf32, #tpu.memory_space<vmem>>)
      tpu.yield
    }) : () -> ()
    "tpu.region"() ({
      %run_scoped3A = tpu.sem_alloc : memref<!tpu.dma_semaphore, #tpu.memory_space<semaphore_mem>>
      tpu.enqueue_dma source(%arg4 : memref<10000xf32, #tpu.memory_space<hbm>>) target(%arg11 : memref<10000xf32, #tpu.memory_space<vmem>>) target_semaphore(%run_scoped3A : memref<!tpu.dma_semaphore, #tpu.memory_space<semaphore_mem>>)
      tpu.wait_dma2 semaphore(%run_scoped3A : memref<!tpu.dma_semaphore, #tpu.memory_space<semaphore_mem>>) src(%arg4 : memref<10000xf32, #tpu.memory_space<hbm>>) dst(%arg11 : memref<10000xf32, #tpu.memory_space<vmem>>)
      tpu.yield
    }) : () -> ()
    %scan3A = arith.constant 0 : i32
    %scan3A_4 = arith.constant 128 : i32
    %scan3A_5 = arith.addi %scan3A, %scan3A_4 : i32
    %scan3A_6 = arith.constant 1 : i32
    scf.for %scan3A_76 = %scan3A to %scan3A_5 step %scan3A_6  : i32 {
      %mul3A_77 = arith.constant 1 : i32
      %mul3A_78 = arith.muli %scan3A_76, %mul3A_77 : i32
      %add3A_79 = arith.constant 0 : i32
      %add3A_80 = arith.addi %add3A_79, %mul3A_78 : i32
      %swap3A_81 = arith.index_cast %add3A_80 : i32 to index
      %swap3A_82 = arith.constant 0 : index
      %swap3A_83 = tpu.vector_load %arg16[%swap3A_81, %swap3A_82] {strides = array<i32>} : memref<128x128xf32, #tpu.memory_space<vmem>>, vector<16xf32>,
      tpu.vector_store %arg16[%swap3A_81, %swap3A_82], %broadcast_in_dim3A_1 {strides = array<i32>} : memref<128x128xf32, #tpu.memory_space<vmem>>, vector<16xf32>,
      %swap3A_84 = arith.index_cast %add3A_80 : i32 to index
      %swap3A_85 = arith.constant 16 : index
      %swap3A_86 = tpu.vector_load %arg16[%swap3A_84, %swap3A_85] {strides = array<i32>} : memref<128x128xf32, #tpu.memory_space<vmem>>, vector<16xf32>,
      tpu.vector_store %arg16[%swap3A_84, %swap3A_85], %broadcast_in_dim3A_1 {strides = array<i32>} : memref<128x128xf32, #tpu.memory_space<vmem>>, vector<16xf32>,
      %swap3A_87 = arith.index_cast %add3A_80 : i32 to index
      %swap3A_88 = arith.constant 32 : index
      %swap3A_89 = tpu.vector_load %arg16[%swap3A_87, %swap3A_88] {strides = array<i32>} : memref<128x128xf32, #tpu.memory_space<vmem>>, vector<16xf32>,
      tpu.vector_store %arg16[%swap3A_87, %swap3A_88], %broadcast_in_dim3A_1 {strides = array<i32>} : memref<128x128xf32, #tpu.memory_space<vmem>>, vector<16xf32>,
      %swap3A_90 = arith.index_cast %add3A_80 : i32 to index
      %swap3A_91 = arith.constant 48 : index
      %swap3A_92 = tpu.vector_load %arg16[%swap3A_90, %swap3A_91] {strides = array<i32>} : memref<128x128xf32, #tpu.memory_space<vmem>>, vector<16xf32>,
      tpu.vector_store %arg16[%swap3A_90, %swap3A_91], %broadcast_in_dim3A_1 {strides = array<i32>} : memref<128x128xf32, #tpu.memory_space<vmem>>, vector<16xf32>,
      %swap3A_93 = arith.index_cast %add3A_80 : i32 to index
      %swap3A_94 = arith.constant 64 : index
      %swap3A_95 = tpu.vector_load %arg16[%swap3A_93, %swap3A_94] {strides = array<i32>} : memref<128x128xf32, #tpu.memory_space<vmem>>, vector<16xf32>,
      tpu.vector_store %arg16[%swap3A_93, %swap3A_94], %broadcast_in_dim3A_1 {strides = array<i32>} : memref<128x128xf32, #tpu.memory_space<vmem>>, vector<16xf32>,
      %swap3A_96 = arith.index_cast %add3A_80 : i32 to index
      %swap3A_97 = arith.constant 80 : index
      %swap3A_98 = tpu.vector_load %arg16[%swap3A_96, %swap3A_97] {strides = array<i32>} : memref<128x128xf32, #tpu.memory_space<vmem>>, vector<16xf32>,
      tpu.vector_store %arg16[%swap3A_96, %swap3A_97], %broadcast_in_dim3A_1 {strides = array<i32>} : memref<128x128xf32, #tpu.memory_space<vmem>>, vector<16xf32>,
      %swap3A_99 = arith.index_cast %add3A_80 : i32 to index
      %swap3A_100 = arith.constant 96 : index
      %swap3A_101 = tpu.vector_load %arg16[%swap3A_99, %swap3A_100] {strides = array<i32>} : memref<128x128xf32, #tpu.memory_space<vmem>>, vector<16xf32>,
      tpu.vector_store %arg16[%swap3A_99, %swap3A_100], %broadcast_in_dim3A_1 {strides = array<i32>} : memref<128x128xf32, #tpu.memory_space<vmem>>, vector<16xf32>,
      %swap3A_102 = arith.index_cast %add3A_80 : i32 to index
      %swap3A_103 = arith.constant 112 : index
      %swap3A_104 = tpu.vector_load %arg16[%swap3A_102, %swap3A_103] {strides = array<i32>} : memref<128x128xf32, #tpu.memory_space<vmem>>, vector<16xf32>,
      tpu.vector_store %arg16[%swap3A_102, %swap3A_103], %broadcast_in_dim3A_1 {strides = array<i32>} : memref<128x128xf32, #tpu.memory_space<vmem>>, vector<16xf32>,
    }
    %scan3A_7 = arith.constant 128 : i32
    %scan3A_8 = arith.constant 0 : i32
    %scan3A_9 = arith.constant 632 : i32
    %scan3A_10 = arith.addi %scan3A_8, %scan3A_9 : i32
    %scan3A_11 = arith.constant 1 : i32
    scf.for %scan3A_76 = %scan3A_8 to %scan3A_10 step %scan3A_11  : i32 {
      %mul3A_77 = arith.constant 1 : i32
      %mul3A_78 = arith.muli %scan3A_76, %mul3A_77 : i32
      %add3A_79 = arith.constant 0 : i32
      %add3A_80 = arith.addi %add3A_79, %mul3A_78 : i32
      %mul3A_81 = arith.constant 16 : i32
      %mul3A_82 = arith.muli %add3A_80, %mul3A_81 : i32
      %swap3A_83 = arith.index_cast %mul3A_82 : i32 to index
      %swap3A_84 = tpu.vector_load %arg21[%swap3A_83] {strides = array<i32>} : memref<10112xf32, #tpu.memory_space<vmem>>, vector<16xf32>,
      tpu.vector_store %arg21[%swap3A_83], %broadcast_in_dim3A_1 {strides = array<i32>} : memref<10112xf32, #tpu.memory_space<vmem>>, vector<16xf32>,
    }
    %scan3A_12 = arith.constant 632 : i32
    %mul3A_13 = arith.constant 632 : i32
    %mul3A_14 = arith.muli %arg1, %mul3A_13 : i32
    %add3A_15 = arith.constant 0 : i32
    %add3A_16 = arith.addi %mul3A_14, %add3A_15 : i32
    "tpu.region"() ({
      %run_scoped3A = tpu.sem_alloc : memref<!tpu.dma_semaphore, #tpu.memory_space<semaphore_mem>>
      %dma_start3A_76 = arith.constant 0 : i32
      %dma_start3A_77 = tpu.memref_slice %arg23[%add3A_16, %dma_start3A_76] : memref<10112x128xf32, #tpu.memory_space<vmem_shared>> -> memref<128x128xf32, #tpu.memory_space<vmem_shared>>
      %dma_start3A_78 = arith.constant 0 : i32
      %dma_start3A_79 = tpu.memref_slice %arg23[%add3A_16, %dma_start3A_78] : memref<10112x128xf32, #tpu.memory_space<vmem_shared>> -> memref<128x128xf32, #tpu.memory_space<vmem_shared>>
      tpu.enqueue_dma source(%arg16 : memref<128x128xf32, #tpu.memory_space<vmem>>) target(%dma_start3A_79 : memref<128x128xf32, #tpu.memory_space<vmem_shared>>) target_semaphore(%run_scoped3A : memref<!tpu.dma_semaphore, #tpu.memory_space<semaphore_mem>>)
      %dma_wait3A_80 = arith.constant 0 : i32
      %dma_wait3A_81 = tpu.memref_slice %arg23[%add3A_16, %dma_wait3A_80] : memref<10112x128xf32, #tpu.memory_space<vmem_shared>> -> memref<128x128xf32, #tpu.memory_space<vmem_shared>>
      %dma_wait3A_82 = arith.constant 0 : i32
      %dma_wait3A_83 = tpu.memref_slice %arg23[%add3A_16, %dma_wait3A_82] : memref<10112x128xf32, #tpu.memory_space<vmem_shared>> -> memref<128x128xf32, #tpu.memory_space<vmem_shared>>
      tpu.wait_dma2 semaphore(%run_scoped3A : memref<!tpu.dma_semaphore, #tpu.memory_space<semaphore_mem>>) src(%arg16 : memref<128x128xf32, #tpu.memory_space<vmem>>) dst(%dma_wait3A_83 : memref<128x128xf32, #tpu.memory_space<vmem_shared>>)
      tpu.yield
    }) : () -> ()
    %add3A_17 = arith.constant 128 : i32
    %add3A_18 = arith.addi %mul3A_14, %add3A_17 : i32
    "tpu.region"() ({
      %run_scoped3A = tpu.sem_alloc : memref<!tpu.dma_semaphore, #tpu.memory_space<semaphore_mem>>
      %dma_start3A_76 = arith.constant 0 : i32
      %dma_start3A_77 = tpu.memref_slice %arg23[%add3A_18, %dma_start3A_76] : memref<10112x128xf32, #tpu.memory_space<vmem_shared>> -> memref<128x128xf32, #tpu.memory_space<vmem_shared>>
      %dma_start3A_78 = arith.constant 0 : i32
      %dma_start3A_79 = tpu.memref_slice %arg23[%add3A_18, %dma_start3A_78] : memref<10112x128xf32, #tpu.memory_space<vmem_shared>> -> memref<128x128xf32, #tpu.memory_space<vmem_shared>>
      tpu.enqueue_dma source(%arg16 : memref<128x128xf32, #tpu.memory_space<vmem>>) target(%dma_start3A_79 : memref<128x128xf32, #tpu.memory_space<vmem_shared>>) target_semaphore(%run_scoped3A : memref<!tpu.dma_semaphore, #tpu.memory_space<semaphore_mem>>)
      %dma_wait3A_80 = arith.constant 0 : i32
      %dma_wait3A_81 = tpu.memref_slice %arg23[%add3A_18, %dma_wait3A_80] : memref<10112x128xf32, #tpu.memory_space<vmem_shared>> -> memref<128x128xf32, #tpu.memory_space<vmem_shared>>
      %dma_wait3A_82 = arith.constant 0 : i32
      %dma_wait3A_83 = tpu.memref_slice %arg23[%add3A_18, %dma_wait3A_82] : memref<10112x128xf32, #tpu.memory_space<vmem_shared>> -> memref<128x128xf32, #tpu.memory_space<vmem_shared>>
      tpu.wait_dma2 semaphore(%run_scoped3A : memref<!tpu.dma_semaphore, #tpu.memory_space<semaphore_mem>>) src(%arg16 : memref<128x128xf32, #tpu.memory_space<vmem>>) dst(%dma_wait3A_83 : memref<128x128xf32, #tpu.memory_space<vmem_shared>>)
      tpu.yield
    }) : () -> ()
    %add3A_19 = arith.constant 256 : i32
    %add3A_20 = arith.addi %mul3A_14, %add3A_19 : i32
    "tpu.region"() ({
      %run_scoped3A = tpu.sem_alloc : memref<!tpu.dma_semaphore, #tpu.memory_space<semaphore_mem>>
      %dma_start3A_76 = arith.constant 0 : i32
      %dma_start3A_77 = tpu.memref_slice %arg23[%add3A_20, %dma_start3A_76] : memref<10112x128xf32, #tpu.memory_space<vmem_shared>> -> memref<128x128xf32, #tpu.memory_space<vmem_shared>>
      %dma_start3A_78 = arith.constant 0 : i32
      %dma_start3A_79 = tpu.memref_slice %arg23[%add3A_20, %dma_start3A_78] : memref<10112x128xf32, #tpu.memory_space<vmem_shared>> -> memref<128x128xf32, #tpu.memory_space<vmem_shared>>
      tpu.enqueue_dma source(%arg16 : memref<128x128xf32, #tpu.memory_space<vmem>>) target(%dma_start3A_79 : memref<128x128xf32, #tpu.memory_space<vmem_shared>>) target_semaphore(%run_scoped3A : memref<!tpu.dma_semaphore, #tpu.memory_space<semaphore_mem>>)
      %dma_wait3A_80 = arith.constant 0 : i32
      %dma_wait3A_81 = tpu.memref_slice %arg23[%add3A_20, %dma_wait3A_80] : memref<10112x128xf32, #tpu.memory_space<vmem_shared>> -> memref<128x128xf32, #tpu.memory_space<vmem_shared>>
      %dma_wait3A_82 = arith.constant 0 : i32
      %dma_wait3A_83 = tpu.memref_slice %arg23[%add3A_20, %dma_wait3A_82] : memref<10112x128xf32, #tpu.memory_space<vmem_shared>> -> memref<128x128xf32, #tpu.memory_space<vmem_shared>>
      tpu.wait_dma2 semaphore(%run_scoped3A : memref<!tpu.dma_semaphore, #tpu.memory_space<semaphore_mem>>) src(%arg16 : memref<128x128xf32, #tpu.memory_space<vmem>>) dst(%dma_wait3A_83 : memref<128x128xf32, #tpu.memory_space<vmem_shared>>)
      tpu.yield
    }) : () -> ()
    %add3A_21 = arith.constant 384 : i32
    %add3A_22 = arith.addi %mul3A_14, %add3A_21 : i32
    "tpu.region"() ({
      %run_scoped3A = tpu.sem_alloc : memref<!tpu.dma_semaphore, #tpu.memory_space<semaphore_mem>>
      %dma_start3A_76 = arith.constant 0 : i32
      %dma_start3A_77 = tpu.memref_slice %arg23[%add3A_22, %dma_start3A_76] : memref<10112x128xf32, #tpu.memory_space<vmem_shared>> -> memref<128x128xf32, #tpu.memory_space<vmem_shared>>
      %dma_start3A_78 = arith.constant 0 : i32
      %dma_start3A_79 = tpu.memref_slice %arg23[%add3A_22, %dma_start3A_78] : memref<10112x128xf32, #tpu.memory_space<vmem_shared>> -> memref<128x128xf32, #tpu.memory_space<vmem_shared>>
      tpu.enqueue_dma source(%arg16 : memref<128x128xf32, #tpu.memory_space<vmem>>) target(%dma_start3A_79 : memref<128x128xf32, #tpu.memory_space<vmem_shared>>) target_semaphore(%run_scoped3A : memref<!tpu.dma_semaphore, #tpu.memory_space<semaphore_mem>>)
      %dma_wait3A_80 = arith.constant 0 : i32
      %dma_wait3A_81 = tpu.memref_slice %arg23[%add3A_22, %dma_wait3A_80] : memref<10112x128xf32, #tpu.memory_space<vmem_shared>> -> memref<128x128xf32, #tpu.memory_space<vmem_shared>>
      %dma_wait3A_82 = arith.constant 0 : i32
      %dma_wait3A_83 = tpu.memref_slice %arg23[%add3A_22, %dma_wait3A_82] : memref<10112x128xf32, #tpu.memory_space<vmem_shared>> -> memref<128x128xf32, #tpu.memory_space<vmem_shared>>
      tpu.wait_dma2 semaphore(%run_scoped3A : memref<!tpu.dma_semaphore, #tpu.memory_space<semaphore_mem>>) src(%arg16 : memref<128x128xf32, #tpu.memory_space<vmem>>) dst(%dma_wait3A_83 : memref<128x128xf32, #tpu.memory_space<vmem_shared>>)
      tpu.yield
    }) : () -> ()
    %add3A_23 = arith.constant 632 : i32
    %add3A_24 = arith.addi %mul3A_14, %add3A_23 : i32
    %sub3A = arith.constant 120 : i32
    %sub3A_25 = arith.subi %add3A_24, %sub3A : i32
    "tpu.region"() ({
      %run_scoped3A = tpu.sem_alloc : memref<!tpu.dma_semaphore, #tpu.memory_space<semaphore_mem>>
      %dma_start3A_76 = arith.constant 0 : i32
      %dma_start3A_77 = arith.constant 0 : i32
      %dma_start3A_78 = tpu.memref_slice %arg16[%dma_start3A_76, %dma_start3A_77] : memref<128x128xf32, #tpu.memory_space<vmem>> -> memref<120x128xf32, #tpu.memory_space<vmem>>
      %dma_start3A_79 = arith.constant 0 : i32
      %dma_start3A_80 = tpu.memref_slice %arg23[%sub3A_25, %dma_start3A_79] : memref<10112x128xf32, #tpu.memory_space<vmem_shared>> -> memref<120x128xf32, #tpu.memory_space<vmem_shared>>
      %dma_start3A_81 = arith.constant 0 : i32
      %dma_start3A_82 = tpu.memref_slice %arg23[%sub3A_25, %dma_start3A_81] : memref<10112x128xf32, #tpu.memory_space<vmem_shared>> -> memref<120x128xf32, #tpu.memory_space<vmem_shared>>
      %dma_start3A_83 = arith.constant 0 : i32
      %dma_start3A_84 = arith.constant 0 : i32
      %dma_start3A_85 = tpu.memref_slice %arg16[%dma_start3A_83, %dma_start3A_84] : memref<128x128xf32, #tpu.memory_space<vmem>> -> memref<120x128xf32, #tpu.memory_space<vmem>>
      tpu.enqueue_dma source(%dma_start3A_85 : memref<120x128xf32, #tpu.memory_space<vmem>>) target(%dma_start3A_82 : memref<120x128xf32, #tpu.memory_space<vmem_shared>>) target_semaphore(%run_scoped3A : memref<!tpu.dma_semaphore, #tpu.memory_space<semaphore_mem>>)
      %dma_wait3A_86 = arith.constant 0 : i32
      %dma_wait3A_87 = arith.constant 0 : i32
      %dma_wait3A_88 = tpu.memref_slice %arg16[%dma_wait3A_86, %dma_wait3A_87] : memref<128x128xf32, #tpu.memory_space<vmem>> -> memref<120x128xf32, #tpu.memory_space<vmem>>
      %dma_wait3A_89 = arith.constant 0 : i32
      %dma_wait3A_90 = tpu.memref_slice %arg23[%sub3A_25, %dma_wait3A_89] : memref<10112x128xf32, #tpu.memory_space<vmem_shared>> -> memref<120x128xf32, #tpu.memory_space<vmem_shared>>
      %dma_wait3A_91 = arith.constant 0 : i32
      %dma_wait3A_92 = tpu.memref_slice %arg23[%sub3A_25, %dma_wait3A_91] : memref<10112x128xf32, #tpu.memory_space<vmem_shared>> -> memref<120x128xf32, #tpu.memory_space<vmem_shared>>
      %dma_wait3A_93 = arith.constant 0 : i32
      %dma_wait3A_94 = arith.constant 0 : i32
      %dma_wait3A_95 = tpu.memref_slice %arg16[%dma_wait3A_93, %dma_wait3A_94] : memref<128x128xf32, #tpu.memory_space<vmem>> -> memref<120x128xf32, #tpu.memory_space<vmem>>
      tpu.wait_dma2 semaphore(%run_scoped3A : memref<!tpu.dma_semaphore, #tpu.memory_space<semaphore_mem>>) src(%dma_wait3A_95 : memref<120x128xf32, #tpu.memory_space<vmem>>) dst(%dma_wait3A_92 : memref<120x128xf32, #tpu.memory_space<vmem_shared>>)
      tpu.yield
    }) : () -> ()
    %barrier3A = arith.constant 0 : index
    tpu.barrier barrier_id(%barrier3A)
    %mul3A_26 = arith.constant 10000 : i32
    %mul3A_27 = arith.muli %add3A, %mul3A_26 : i32
    %scan3A_28 = arith.constant 0 : i32
    %scan3A_29 = arith.constant 78 : i32
    %scan3A_30 = arith.addi %scan3A_28, %scan3A_29 : i32
    %scan3A_31 = arith.constant 1 : i32
    scf.for %scan3A_76 = %scan3A_28 to %scan3A_30 step %scan3A_31  : i32 {
      %mul3A_77 = arith.constant 1 : i32
      %mul3A_78 = arith.muli %scan3A_76, %mul3A_77 : i32
      %add3A_79 = arith.constant 0 : i32
      %add3A_80 = arith.addi %add3A_79, %mul3A_78 : i32
      %mul3A_81 = arith.constant 128 : i32
      %mul3A_82 = arith.muli %add3A_80, %mul3A_81 : i32
      %add3A_83 = arith.addi %mul3A_27, %mul3A_82 : i32
      "tpu.region"() ({
        %run_scoped3A = tpu.sem_alloc : memref<!tpu.dma_semaphore, #tpu.memory_space<semaphore_mem>>
        %dma_start3A_271 = tpu.memref_slice %arg5[%add3A_83] : memref<320000xi32, #tpu.memory_space<hbm>> -> memref<128xi32, #tpu.memory_space<hbm>>
        %dma_start3A_272 = tpu.memref_slice %arg5[%add3A_83] : memref<320000xi32, #tpu.memory_space<hbm>> -> memref<128xi32, #tpu.memory_space<hbm>>
        tpu.enqueue_dma source(%dma_start3A_272 : memref<128xi32, #tpu.memory_space<hbm>>) target(%arg12 : memref<128xi32, #tpu.memory_space<vmem>>) target_semaphore(%run_scoped3A : memref<!tpu.dma_semaphore, #tpu.memory_space<semaphore_mem>>)
        %dma_wait3A_273 = tpu.memref_slice %arg5[%add3A_83] : memref<320000xi32, #tpu.memory_space<hbm>> -> memref<128xi32, #tpu.memory_space<hbm>>
        %dma_wait3A_274 = tpu.memref_slice %arg5[%add3A_83] : memref<320000xi32, #tpu.memory_space<hbm>> -> memref<128xi32, #tpu.memory_space<hbm>>
        tpu.wait_dma2 semaphore(%run_scoped3A : memref<!tpu.dma_semaphore, #tpu.memory_space<semaphore_mem>>) src(%dma_wait3A_274 : memref<128xi32, #tpu.memory_space<hbm>>) dst(%arg12 : memref<128xi32, #tpu.memory_space<vmem>>)
        tpu.yield
      }) : () -> ()
      "tpu.region"() ({
        %run_scoped3A = tpu.sem_alloc : memref<!tpu.dma_semaphore, #tpu.memory_space<semaphore_mem>>
        %dma_start3A_271 = tpu.memref_slice %arg6[%add3A_83] : memref<320000xi32, #tpu.memory_space<hbm>> -> memref<128xi32, #tpu.memory_space<hbm>>
        %dma_start3A_272 = tpu.memref_slice %arg6[%add3A_83] : memref<320000xi32, #tpu.memory_space<hbm>> -> memref<128xi32, #tpu.memory_space<hbm>>
        tpu.enqueue_dma source(%dma_start3A_272 : memref<128xi32, #tpu.memory_space<hbm>>) target(%arg13 : memref<128xi32, #tpu.memory_space<vmem>>) target_semaphore(%run_scoped3A : memref<!tpu.dma_semaphore, #tpu.memory_space<semaphore_mem>>)
        %dma_wait3A_273 = tpu.memref_slice %arg6[%add3A_83] : memref<320000xi32, #tpu.memory_space<hbm>> -> memref<128xi32, #tpu.memory_space<hbm>>
        %dma_wait3A_274 = tpu.memref_slice %arg6[%add3A_83] : memref<320000xi32, #tpu.memory_space<hbm>> -> memref<128xi32, #tpu.memory_space<hbm>>
        tpu.wait_dma2 semaphore(%run_scoped3A : memref<!tpu.dma_semaphore, #tpu.memory_space<semaphore_mem>>) src(%dma_wait3A_274 : memref<128xi32, #tpu.memory_space<hbm>>) dst(%arg13 : memref<128xi32, #tpu.memory_space<vmem>>)
        tpu.yield
      }) : () -> ()
      "tpu.region"() ({
        %run_scoped3A = tpu.sem_alloc : memref<!tpu.dma_semaphore, #tpu.memory_space<semaphore_mem>>
        %dma_start3A_271 = tpu.memref_slice %arg7[%add3A_83] : memref<320000xi32, #tpu.memory_space<hbm>> -> memref<128xi32, #tpu.memory_space<hbm>>
        %dma_start3A_272 = tpu.memref_slice %arg7[%add3A_83] : memref<320000xi32, #tpu.memory_space<hbm>> -> memref<128xi32, #tpu.memory_space<hbm>>
        tpu.enqueue_dma source(%dma_start3A_272 : memref<128xi32, #tpu.memory_space<hbm>>) target(%arg14 : memref<128xi32, #tpu.memory_space<vmem>>) target_semaphore(%run_scoped3A : memref<!tpu.dma_semaphore, #tpu.memory_space<semaphore_mem>>)
        %dma_wait3A_273 = tpu.memref_slice %arg7[%add3A_83] : memref<320000xi32, #tpu.memory_space<hbm>> -> memref<128xi32, #tpu.memory_space<hbm>>
        %dma_wait3A_274 = tpu.memref_slice %arg7[%add3A_83] : memref<320000xi32, #tpu.memory_space<hbm>> -> memref<128xi32, #tpu.memory_space<hbm>>
        tpu.wait_dma2 semaphore(%run_scoped3A : memref<!tpu.dma_semaphore, #tpu.memory_space<semaphore_mem>>) src(%dma_wait3A_274 : memref<128xi32, #tpu.memory_space<hbm>>) dst(%arg14 : memref<128xi32, #tpu.memory_space<vmem>>)
        tpu.yield
      }) : () -> ()
      %dma_start3A_84 = arith.constant 0 : i32
      %dma_start3A_85 = arith.constant 0 : i32
      %dma_start3A_86 = tpu.memref_slice %arg2[%dma_start3A_84, %dma_start3A_85] : memref<10000x128xf32, #tpu.memory_space<hbm>> -> memref<10000x128xf32, #tpu.memory_space<hbm>>
      tpu.enqueue_indirect_dma source(%dma_start3A_86 : memref<10000x128xf32, #tpu.memory_space<hbm>>) target(%arg16 : memref<128x128xf32, #tpu.memory_space<vmem>>) offsets(%arg14 : memref<128xi32, #tpu.memory_space<vmem>>) semaphore(%arg22 : memref<!tpu.dma_semaphore, #tpu.memory_space<semaphore_mem>>)
      %dma_wait3A_87 = arith.constant 0 : i32
      %dma_wait3A_88 = arith.constant 0 : i32
      %dma_wait3A_89 = tpu.memref_slice %arg2[%dma_wait3A_87, %dma_wait3A_88] : memref<10000x128xf32, #tpu.memory_space<hbm>> -> memref<10000x128xf32, #tpu.memory_space<hbm>>
      tpu.wait_indirect_dma semaphore(%arg22 : memref<!tpu.dma_semaphore, #tpu.memory_space<semaphore_mem>>) src(%dma_wait3A_89 : memref<10000x128xf32, #tpu.memory_space<hbm>>) dst(%arg16 : memref<128x128xf32, #tpu.memory_space<vmem>>)
      %get3A_90 = arith.constant 0 : index
      %get3A_91 = tpu.vector_load %arg12[%get3A_90] {strides = array<i32>} : memref<128xi32, #tpu.memory_space<vmem>>, vector<16xi32>,
      %get3A_92 = arith.constant 0 : index
      %get3A_93 = tpu.vector_load %arg13[%get3A_92] {strides = array<i32>} : memref<128xi32, #tpu.memory_space<vmem>>, vector<16xi32>,
      %gather3A_94 = tpu.vector_load_idx %arg10[%get3A_91] : memref<10000xf32, #tpu.memory_space<vmem>>[vector<16xi32>], vector<16xf32>,
      %gather3A_95 = tpu.vector_load_idx %arg11[%get3A_93] : memref<10000xf32, #tpu.memory_space<vmem>>[vector<16xi32>], vector<16xf32>,
      %add3A_96 = arith.addf %gather3A_94, %gather3A_95 : vector<16xf32>
      %max3A_97 = arith.constant 0.000000e+00 : f32
      %max3A_98 = vector.broadcast %max3A_97 : f32 to vector<16xf32>
      %max3A_99 = arith.maximumf %add3A_96, %max3A_98 : vector<16xf32>
      %neg3A_100 = arith.constant 0.000000e+00 : f32
      %neg3A_101 = vector.broadcast %neg3A_100 : f32 to vector<16xf32>
      %neg3A_102 = arith.subf %neg3A_101, %max3A_99 : vector<16xf32>
      %exp3A_103 = math.exp %neg3A_102 : vector<16xf32>
      %add3A_104 = arith.constant 1.000000e+00 : f32
      %add3A_105 = vector.broadcast %add3A_104 : f32 to vector<16xf32>
      %add3A_106 = arith.addf %add3A_105, %exp3A_103 : vector<16xf32>
      %div3A_107 = arith.constant 1.000000e+00 : f32
      %div3A_108 = vector.broadcast %div3A_107 : f32 to vector<16xf32>
      %div3A_109 = arith.divf %div3A_108, %add3A_106 : vector<16xf32>
      %swap3A_110 = arith.constant 0 : index
      %swap3A_111 = tpu.vector_load %arg15[%swap3A_110] {strides = array<i32>} : memref<128xf32, #tpu.memory_space<vmem>>, vector<16xf32>,
      tpu.vector_store %arg15[%swap3A_110], %div3A_109 {strides = array<i32>} : memref<128xf32, #tpu.memory_space<vmem>>, vector<16xf32>,
      tpu.vector_store_idx %arg21[%get3A_93], %broadcast_in_dim3A_3 : memref<10112xf32, #tpu.memory_space<vmem>>[vector<16xi32>], vector<16xf32>,
      %get3A_112 = arith.constant 16 : index
      %get3A_113 = tpu.vector_load %arg12[%get3A_112] {strides = array<i32>} : memref<128xi32, #tpu.memory_space<vmem>>, vector<16xi32>,
      %get3A_114 = arith.constant 16 : index
      %get3A_115 = tpu.vector_load %arg13[%get3A_114] {strides = array<i32>} : memref<128xi32, #tpu.memory_space<vmem>>, vector<16xi32>,
      %gather3A_116 = tpu.vector_load_idx %arg10[%get3A_113] : memref<10000xf32, #tpu.memory_space<vmem>>[vector<16xi32>], vector<16xf32>,
      %gather3A_117 = tpu.vector_load_idx %arg11[%get3A_115] : memref<10000xf32, #tpu.memory_space<vmem>>[vector<16xi32>], vector<16xf32>,
      %add3A_118 = arith.addf %gather3A_116, %gather3A_117 : vector<16xf32>
      %max3A_119 = arith.constant 0.000000e+00 : f32
      %max3A_120 = vector.broadcast %max3A_119 : f32 to vector<16xf32>
      %max3A_121 = arith.maximumf %add3A_118, %max3A_120 : vector<16xf32>
      %neg3A_122 = arith.constant 0.000000e+00 : f32
      %neg3A_123 = vector.broadcast %neg3A_122 : f32 to vector<16xf32>
      %neg3A_124 = arith.subf %neg3A_123, %max3A_121 : vector<16xf32>
      %exp3A_125 = math.exp %neg3A_124 : vector<16xf32>
      %add3A_126 = arith.constant 1.000000e+00 : f32
      %add3A_127 = vector.broadcast %add3A_126 : f32 to vector<16xf32>
      %add3A_128 = arith.addf %add3A_127, %exp3A_125 : vector<16xf32>
      %div3A_129 = arith.constant 1.000000e+00 : f32
      %div3A_130 = vector.broadcast %div3A_129 : f32 to vector<16xf32>
      %div3A_131 = arith.divf %div3A_130, %add3A_128 : vector<16xf32>
      %swap3A_132 = arith.constant 16 : index
      %swap3A_133 = tpu.vector_load %arg15[%swap3A_132] {strides = array<i32>} : memref<128xf32, #tpu.memory_space<vmem>>, vector<16xf32>,
      tpu.vector_store %arg15[%swap3A_132], %div3A_131 {strides = array<i32>} : memref<128xf32, #tpu.memory_space<vmem>>, vector<16xf32>,
      tpu.vector_store_idx %arg21[%get3A_115], %broadcast_in_dim3A_3 : memref<10112xf32, #tpu.memory_space<vmem>>[vector<16xi32>], vector<16xf32>,
      %get3A_134 = arith.constant 32 : index
      %get3A_135 = tpu.vector_load %arg12[%get3A_134] {strides = array<i32>} : memref<128xi32, #tpu.memory_space<vmem>>, vector<16xi32>,
      %get3A_136 = arith.constant 32 : index
      %get3A_137 = tpu.vector_load %arg13[%get3A_136] {strides = array<i32>} : memref<128xi32, #tpu.memory_space<vmem>>, vector<16xi32>,
      %gather3A_138 = tpu.vector_load_idx %arg10[%get3A_135] : memref<10000xf32, #tpu.memory_space<vmem>>[vector<16xi32>], vector<16xf32>,
      %gather3A_139 = tpu.vector_load_idx %arg11[%get3A_137] : memref<10000xf32, #tpu.memory_space<vmem>>[vector<16xi32>], vector<16xf32>,
      %add3A_140 = arith.addf %gather3A_138, %gather3A_139 : vector<16xf32>
      %max3A_141 = arith.constant 0.000000e+00 : f32
      %max3A_142 = vector.broadcast %max3A_141 : f32 to vector<16xf32>
      %max3A_143 = arith.maximumf %add3A_140, %max3A_142 : vector<16xf32>
      %neg3A_144 = arith.constant 0.000000e+00 : f32
      %neg3A_145 = vector.broadcast %neg3A_144 : f32 to vector<16xf32>
      %neg3A_146 = arith.subf %neg3A_145, %max3A_143 : vector<16xf32>
      %exp3A_147 = math.exp %neg3A_146 : vector<16xf32>
      %add3A_148 = arith.constant 1.000000e+00 : f32
      %add3A_149 = vector.broadcast %add3A_148 : f32 to vector<16xf32>
      %add3A_150 = arith.addf %add3A_149, %exp3A_147 : vector<16xf32>
      %div3A_151 = arith.constant 1.000000e+00 : f32
      %div3A_152 = vector.broadcast %div3A_151 : f32 to vector<16xf32>
      %div3A_153 = arith.divf %div3A_152, %add3A_150 : vector<16xf32>
      %swap3A_154 = arith.constant 32 : index
      %swap3A_155 = tpu.vector_load %arg15[%swap3A_154] {strides = array<i32>} : memref<128xf32, #tpu.memory_space<vmem>>, vector<16xf32>,
      tpu.vector_store %arg15[%swap3A_154], %div3A_153 {strides = array<i32>} : memref<128xf32, #tpu.memory_space<vmem>>, vector<16xf32>,
      tpu.vector_store_idx %arg21[%get3A_137], %broadcast_in_dim3A_3 : memref<10112xf32, #tpu.memory_space<vmem>>[vector<16xi32>], vector<16xf32>,
      %get3A_156 = arith.constant 48 : index
      %get3A_157 = tpu.vector_load %arg12[%get3A_156] {strides = array<i32>} : memref<128xi32, #tpu.memory_space<vmem>>, vector<16xi32>,
      %get3A_158 = arith.constant 48 : index
      %get3A_159 = tpu.vector_load %arg13[%get3A_158] {strides = array<i32>} : memref<128xi32, #tpu.memory_space<vmem>>, vector<16xi32>,
      %gather3A_160 = tpu.vector_load_idx %arg10[%get3A_157] : memref<10000xf32, #tpu.memory_space<vmem>>[vector<16xi32>], vector<16xf32>,
      %gather3A_161 = tpu.vector_load_idx %arg11[%get3A_159] : memref<10000xf32, #tpu.memory_space<vmem>>[vector<16xi32>], vector<16xf32>,
      %add3A_162 = arith.addf %gather3A_160, %gather3A_161 : vector<16xf32>
      %max3A_163 = arith.constant 0.000000e+00 : f32
      %max3A_164 = vector.broadcast %max3A_163 : f32 to vector<16xf32>
      %max3A_165 = arith.maximumf %add3A_162, %max3A_164 : vector<16xf32>
      %neg3A_166 = arith.constant 0.000000e+00 : f32
      %neg3A_167 = vector.broadcast %neg3A_166 : f32 to vector<16xf32>
      %neg3A_168 = arith.subf %neg3A_167, %max3A_165 : vector<16xf32>
      %exp3A_169 = math.exp %neg3A_168 : vector<16xf32>
      %add3A_170 = arith.constant 1.000000e+00 : f32
      %add3A_171 = vector.broadcast %add3A_170 : f32 to vector<16xf32>
      %add3A_172 = arith.addf %add3A_171, %exp3A_169 : vector<16xf32>
      %div3A_173 = arith.constant 1.000000e+00 : f32
      %div3A_174 = vector.broadcast %div3A_173 : f32 to vector<16xf32>
      %div3A_175 = arith.divf %div3A_174, %add3A_172 : vector<16xf32>
      %swap3A_176 = arith.constant 48 : index
      %swap3A_177 = tpu.vector_load %arg15[%swap3A_176] {strides = array<i32>} : memref<128xf32, #tpu.memory_space<vmem>>, vector<16xf32>,
      tpu.vector_store %arg15[%swap3A_176], %div3A_175 {strides = array<i32>} : memref<128xf32, #tpu.memory_space<vmem>>, vector<16xf32>,
      tpu.vector_store_idx %arg21[%get3A_159], %broadcast_in_dim3A_3 : memref<10112xf32, #tpu.memory_space<vmem>>[vector<16xi32>], vector<16xf32>,
      %get3A_178 = arith.constant 64 : index
      %get3A_179 = tpu.vector_load %arg12[%get3A_178] {strides = array<i32>} : memref<128xi32, #tpu.memory_space<vmem>>, vector<16xi32>,
      %get3A_180 = arith.constant 64 : index
      %get3A_181 = tpu.vector_load %arg13[%get3A_180] {strides = array<i32>} : memref<128xi32, #tpu.memory_space<vmem>>, vector<16xi32>,
      %gather3A_182 = tpu.vector_load_idx %arg10[%get3A_179] : memref<10000xf32, #tpu.memory_space<vmem>>[vector<16xi32>], vector<16xf32>,
      %gather3A_183 = tpu.vector_load_idx %arg11[%get3A_181] : memref<10000xf32, #tpu.memory_space<vmem>>[vector<16xi32>], vector<16xf32>,
      %add3A_184 = arith.addf %gather3A_182, %gather3A_183 : vector<16xf32>
      %max3A_185 = arith.constant 0.000000e+00 : f32
      %max3A_186 = vector.broadcast %max3A_185 : f32 to vector<16xf32>
      %max3A_187 = arith.maximumf %add3A_184, %max3A_186 : vector<16xf32>
      %neg3A_188 = arith.constant 0.000000e+00 : f32
      %neg3A_189 = vector.broadcast %neg3A_188 : f32 to vector<16xf32>
      %neg3A_190 = arith.subf %neg3A_189, %max3A_187 : vector<16xf32>
      %exp3A_191 = math.exp %neg3A_190 : vector<16xf32>
      %add3A_192 = arith.constant 1.000000e+00 : f32
      %add3A_193 = vector.broadcast %add3A_192 : f32 to vector<16xf32>
      %add3A_194 = arith.addf %add3A_193, %exp3A_191 : vector<16xf32>
      %div3A_195 = arith.constant 1.000000e+00 : f32
      %div3A_196 = vector.broadcast %div3A_195 : f32 to vector<16xf32>
      %div3A_197 = arith.divf %div3A_196, %add3A_194 : vector<16xf32>
      %swap3A_198 = arith.constant 64 : index
      %swap3A_199 = tpu.vector_load %arg15[%swap3A_198] {strides = array<i32>} : memref<128xf32, #tpu.memory_space<vmem>>, vector<16xf32>,
      tpu.vector_store %arg15[%swap3A_198], %div3A_197 {strides = array<i32>} : memref<128xf32, #tpu.memory_space<vmem>>, vector<16xf32>,
      tpu.vector_store_idx %arg21[%get3A_181], %broadcast_in_dim3A_3 : memref<10112xf32, #tpu.memory_space<vmem>>[vector<16xi32>], vector<16xf32>,
      %get3A_200 = arith.constant 80 : index
      %get3A_201 = tpu.vector_load %arg12[%get3A_200] {strides = array<i32>} : memref<128xi32, #tpu.memory_space<vmem>>, vector<16xi32>,
      %get3A_202 = arith.constant 80 : index
      %get3A_203 = tpu.vector_load %arg13[%get3A_202] {strides = array<i32>} : memref<128xi32, #tpu.memory_space<vmem>>, vector<16xi32>,
      %gather3A_204 = tpu.vector_load_idx %arg10[%get3A_201] : memref<10000xf32, #tpu.memory_space<vmem>>[vector<16xi32>], vector<16xf32>,
      %gather3A_205 = tpu.vector_load_idx %arg11[%get3A_203] : memref<10000xf32, #tpu.memory_space<vmem>>[vector<16xi32>], vector<16xf32>,
      %add3A_206 = arith.addf %gather3A_204, %gather3A_205 : vector<16xf32>
      %max3A_207 = arith.constant 0.000000e+00 : f32
      %max3A_208 = vector.broadcast %max3A_207 : f32 to vector<16xf32>
      %max3A_209 = arith.maximumf %add3A_206, %max3A_208 : vector<16xf32>
      %neg3A_210 = arith.constant 0.000000e+00 : f32
      %neg3A_211 = vector.broadcast %neg3A_210 : f32 to vector<16xf32>
      %neg3A_212 = arith.subf %neg3A_211, %max3A_209 : vector<16xf32>
      %exp3A_213 = math.exp %neg3A_212 : vector<16xf32>
      %add3A_214 = arith.constant 1.000000e+00 : f32
      %add3A_215 = vector.broadcast %add3A_214 : f32 to vector<16xf32>
      %add3A_216 = arith.addf %add3A_215, %exp3A_213 : vector<16xf32>
      %div3A_217 = arith.constant 1.000000e+00 : f32
      %div3A_218 = vector.broadcast %div3A_217 : f32 to vector<16xf32>
      %div3A_219 = arith.divf %div3A_218, %add3A_216 : vector<16xf32>
      %swap3A_220 = arith.constant 80 : index
      %swap3A_221 = tpu.vector_load %arg15[%swap3A_220] {strides = array<i32>} : memref<128xf32, #tpu.memory_space<vmem>>, vector<16xf32>,
      tpu.vector_store %arg15[%swap3A_220], %div3A_219 {strides = array<i32>} : memref<128xf32, #tpu.memory_space<vmem>>, vector<16xf32>,
      tpu.vector_store_idx %arg21[%get3A_203], %broadcast_in_dim3A_3 : memref<10112xf32, #tpu.memory_space<vmem>>[vector<16xi32>], vector<16xf32>,
      %get3A_222 = arith.constant 96 : index
      %get3A_223 = tpu.vector_load %arg12[%get3A_222] {strides = array<i32>} : memref<128xi32, #tpu.memory_space<vmem>>, vector<16xi32>,
      %get3A_224 = arith.constant 96 : index
      %get3A_225 = tpu.vector_load %arg13[%get3A_224] {strides = array<i32>} : memref<128xi32, #tpu.memory_space<vmem>>, vector<16xi32>,
      %gather3A_226 = tpu.vector_load_idx %arg10[%get3A_223] : memref<10000xf32, #tpu.memory_space<vmem>>[vector<16xi32>], vector<16xf32>,
      %gather3A_227 = tpu.vector_load_idx %arg11[%get3A_225] : memref<10000xf32, #tpu.memory_space<vmem>>[vector<16xi32>], vector<16xf32>,
      %add3A_228 = arith.addf %gather3A_226, %gather3A_227 : vector<16xf32>
      %max3A_229 = arith.constant 0.000000e+00 : f32
      %max3A_230 = vector.broadcast %max3A_229 : f32 to vector<16xf32>
      %max3A_231 = arith.maximumf %add3A_228, %max3A_230 : vector<16xf32>
      %neg3A_232 = arith.constant 0.000000e+00 : f32
      %neg3A_233 = vector.broadcast %neg3A_232 : f32 to vector<16xf32>
      %neg3A_234 = arith.subf %neg3A_233, %max3A_231 : vector<16xf32>
      %exp3A_235 = math.exp %neg3A_234 : vector<16xf32>
      %add3A_236 = arith.constant 1.000000e+00 : f32
      %add3A_237 = vector.broadcast %add3A_236 : f32 to vector<16xf32>
      %add3A_238 = arith.addf %add3A_237, %exp3A_235 : vector<16xf32>
      %div3A_239 = arith.constant 1.000000e+00 : f32
      %div3A_240 = vector.broadcast %div3A_239 : f32 to vector<16xf32>
      %div3A_241 = arith.divf %div3A_240, %add3A_238 : vector<16xf32>
      %swap3A_242 = arith.constant 96 : index
      %swap3A_243 = tpu.vector_load %arg15[%swap3A_242] {strides = array<i32>} : memref<128xf32, #tpu.memory_space<vmem>>, vector<16xf32>,
      tpu.vector_store %arg15[%swap3A_242], %div3A_241 {strides = array<i32>} : memref<128xf32, #tpu.memory_space<vmem>>, vector<16xf32>,
      tpu.vector_store_idx %arg21[%get3A_225], %broadcast_in_dim3A_3 : memref<10112xf32, #tpu.memory_space<vmem>>[vector<16xi32>], vector<16xf32>,
      %get3A_244 = arith.constant 112 : index
      %get3A_245 = tpu.vector_load %arg12[%get3A_244] {strides = array<i32>} : memref<128xi32, #tpu.memory_space<vmem>>, vector<16xi32>,
      %get3A_246 = arith.constant 112 : index
      %get3A_247 = tpu.vector_load %arg13[%get3A_246] {strides = array<i32>} : memref<128xi32, #tpu.memory_space<vmem>>, vector<16xi32>,
      %gather3A_248 = tpu.vector_load_idx %arg10[%get3A_245] : memref<10000xf32, #tpu.memory_space<vmem>>[vector<16xi32>], vector<16xf32>,
      %gather3A_249 = tpu.vector_load_idx %arg11[%get3A_247] : memref<10000xf32, #tpu.memory_space<vmem>>[vector<16xi32>], vector<16xf32>,
      %add3A_250 = arith.addf %gather3A_248, %gather3A_249 : vector<16xf32>
      %max3A_251 = arith.constant 0.000000e+00 : f32
      %max3A_252 = vector.broadcast %max3A_251 : f32 to vector<16xf32>
      %max3A_253 = arith.maximumf %add3A_250, %max3A_252 : vector<16xf32>
      %neg3A_254 = arith.constant 0.000000e+00 : f32
      %neg3A_255 = vector.broadcast %neg3A_254 : f32 to vector<16xf32>
      %neg3A_256 = arith.subf %neg3A_255, %max3A_253 : vector<16xf32>
      %exp3A_257 = math.exp %neg3A_256 : vector<16xf32>
      %add3A_258 = arith.constant 1.000000e+00 : f32
      %add3A_259 = vector.broadcast %add3A_258 : f32 to vector<16xf32>
      %add3A_260 = arith.addf %add3A_259, %exp3A_257 : vector<16xf32>
      %div3A_261 = arith.constant 1.000000e+00 : f32
      %div3A_262 = vector.broadcast %div3A_261 : f32 to vector<16xf32>
      %div3A_263 = arith.divf %div3A_262, %add3A_260 : vector<16xf32>
      %swap3A_264 = arith.constant 112 : index
      %swap3A_265 = tpu.vector_load %arg15[%swap3A_264] {strides = array<i32>} : memref<128xf32, #tpu.memory_space<vmem>>, vector<16xf32>,
      tpu.vector_store %arg15[%swap3A_264], %div3A_263 {strides = array<i32>} : memref<128xf32, #tpu.memory_space<vmem>>, vector<16xf32>,
      tpu.vector_store_idx %arg21[%get3A_247], %broadcast_in_dim3A_3 : memref<10112xf32, #tpu.memory_space<vmem>>[vector<16xi32>], vector<16xf32>,
      %scan3A_266 = arith.constant 0 : i32
      %scan3A_267 = arith.constant 128 : i32
      %scan3A_268 = arith.addi %scan3A_266, %scan3A_267 : i32
      %scan3A_269 = arith.constant 4 : i32
      scf.for %scan3A_271 = %scan3A_266 to %scan3A_268 step %scan3A_269  : i32 {
        %mul3A_272 = arith.constant 1 : i32
        %mul3A_273 = arith.muli %scan3A_271, %mul3A_272 : i32
        %add3A_274 = arith.constant 0 : i32
        %add3A_275 = arith.addi %add3A_274, %mul3A_273 : i32
        %broadcast_in_dim3A_276 = vector.broadcast %add3A_275 : i32 to vector<16xi32>
        %gather3A_277 = tpu.vector_load_idx %arg15[%broadcast_in_dim3A_276] : memref<128xf32, #tpu.memory_space<vmem>>[vector<16xi32>], vector<16xf32>,
        %get3A_278 = arith.index_cast %add3A_275 : i32 to index
        %get3A_279 = arith.constant 0 : index
        %get3A_280 = tpu.vector_load %arg16[%get3A_278, %get3A_279] {strides = array<i32>} : memref<128x128xf32, #tpu.memory_space<vmem>>, vector<16xf32>,
        %mul3A_281 = arith.mulf %get3A_280, %gather3A_277 : vector<16xf32>
        %swap3A_282 = arith.index_cast %add3A_275 : i32 to index
        %swap3A_283 = arith.constant 0 : index
        %swap3A_284 = tpu.vector_load %arg16[%swap3A_282, %swap3A_283] {strides = array<i32>} : memref<128x128xf32, #tpu.memory_space<vmem>>, vector<16xf32>,
        tpu.vector_store %arg16[%swap3A_282, %swap3A_283], %mul3A_281 {strides = array<i32>} : memref<128x128xf32, #tpu.memory_space<vmem>>, vector<16xf32>,
        %get3A_285 = arith.index_cast %add3A_275 : i32 to index
        %get3A_286 = arith.constant 16 : index
        %get3A_287 = tpu.vector_load %arg16[%get3A_285, %get3A_286] {strides = array<i32>} : memref<128x128xf32, #tpu.memory_space<vmem>>, vector<16xf32>,
        %mul3A_288 = arith.mulf %get3A_287, %gather3A_277 : vector<16xf32>
        %swap3A_289 = arith.index_cast %add3A_275 : i32 to index
        %swap3A_290 = arith.constant 16 : index
        %swap3A_291 = tpu.vector_load %arg16[%swap3A_289, %swap3A_290] {strides = array<i32>} : memref<128x128xf32, #tpu.memory_space<vmem>>, vector<16xf32>,
        tpu.vector_store %arg16[%swap3A_289, %swap3A_290], %mul3A_288 {strides = array<i32>} : memref<128x128xf32, #tpu.memory_space<vmem>>, vector<16xf32>,
        %get3A_292 = arith.index_cast %add3A_275 : i32 to index
        %get3A_293 = arith.constant 32 : index
        %get3A_294 = tpu.vector_load %arg16[%get3A_292, %get3A_293] {strides = array<i32>} : memref<128x128xf32, #tpu.memory_space<vmem>>, vector<16xf32>,
        %mul3A_295 = arith.mulf %get3A_294, %gather3A_277 : vector<16xf32>
        %swap3A_296 = arith.index_cast %add3A_275 : i32 to index
        %swap3A_297 = arith.constant 32 : index
        %swap3A_298 = tpu.vector_load %arg16[%swap3A_296, %swap3A_297] {strides = array<i32>} : memref<128x128xf32, #tpu.memory_space<vmem>>, vector<16xf32>,
        tpu.vector_store %arg16[%swap3A_296, %swap3A_297], %mul3A_295 {strides = array<i32>} : memref<128x128xf32, #tpu.memory_space<vmem>>, vector<16xf32>,
        %get3A_299 = arith.index_cast %add3A_275 : i32 to index
        %get3A_300 = arith.constant 48 : index
        %get3A_301 = tpu.vector_load %arg16[%get3A_299, %get3A_300] {strides = array<i32>} : memref<128x128xf32, #tpu.memory_space<vmem>>, vector<16xf32>,
        %mul3A_302 = arith.mulf %get3A_301, %gather3A_277 : vector<16xf32>
        %swap3A_303 = arith.index_cast %add3A_275 : i32 to index
        %swap3A_304 = arith.constant 48 : index
        %swap3A_305 = tpu.vector_load %arg16[%swap3A_303, %swap3A_304] {strides = array<i32>} : memref<128x128xf32, #tpu.memory_space<vmem>>, vector<16xf32>,
        tpu.vector_store %arg16[%swap3A_303, %swap3A_304], %mul3A_302 {strides = array<i32>} : memref<128x128xf32, #tpu.memory_space<vmem>>, vector<16xf32>,
        %get3A_306 = arith.index_cast %add3A_275 : i32 to index
        %get3A_307 = arith.constant 64 : index
        %get3A_308 = tpu.vector_load %arg16[%get3A_306, %get3A_307] {strides = array<i32>} : memref<128x128xf32, #tpu.memory_space<vmem>>, vector<16xf32>,
        %mul3A_309 = arith.mulf %get3A_308, %gather3A_277 : vector<16xf32>
        %swap3A_310 = arith.index_cast %add3A_275 : i32 to index
        %swap3A_311 = arith.constant 64 : index
        %swap3A_312 = tpu.vector_load %arg16[%swap3A_310, %swap3A_311] {strides = array<i32>} : memref<128x128xf32, #tpu.memory_space<vmem>>, vector<16xf32>,
        tpu.vector_store %arg16[%swap3A_310, %swap3A_311], %mul3A_309 {strides = array<i32>} : memref<128x128xf32, #tpu.memory_space<vmem>>, vector<16xf32>,
        %get3A_313 = arith.index_cast %add3A_275 : i32 to index
        %get3A_314 = arith.constant 80 : index
        %get3A_315 = tpu.vector_load %arg16[%get3A_313, %get3A_314] {strides = array<i32>} : memref<128x128xf32, #tpu.memory_space<vmem>>, vector<16xf32>,
        %mul3A_316 = arith.mulf %get3A_315, %gather3A_277 : vector<16xf32>
        %swap3A_317 = arith.index_cast %add3A_275 : i32 to index
        %swap3A_318 = arith.constant 80 : index
        %swap3A_319 = tpu.vector_load %arg16[%swap3A_317, %swap3A_318] {strides = array<i32>} : memref<128x128xf32, #tpu.memory_space<vmem>>, vector<16xf32>,
        tpu.vector_store %arg16[%swap3A_317, %swap3A_318], %mul3A_316 {strides = array<i32>} : memref<128x128xf32, #tpu.memory_space<vmem>>, vector<16xf32>,
        %get3A_320 = arith.index_cast %add3A_275 : i32 to index
        %get3A_321 = arith.constant 96 : index
        %get3A_322 = tpu.vector_load %arg16[%get3A_320, %get3A_321] {strides = array<i32>} : memref<128x128xf32, #tpu.memory_space<vmem>>, vector<16xf32>,
        %mul3A_323 = arith.mulf %get3A_322, %gather3A_277 : vector<16xf32>
        %swap3A_324 = arith.index_cast %add3A_275 : i32 to index
        %swap3A_325 = arith.constant 96 : index
        %swap3A_326 = tpu.vector_load %arg16[%swap3A_324, %swap3A_325] {strides = array<i32>} : memref<128x128xf32, #tpu.memory_space<vmem>>, vector<16xf32>,
        tpu.vector_store %arg16[%swap3A_324, %swap3A_325], %mul3A_323 {strides = array<i32>} : memref<128x128xf32, #tpu.memory_space<vmem>>, vector<16xf32>,
        %get3A_327 = arith.index_cast %add3A_275 : i32 to index
        %get3A_328 = arith.constant 112 : index
        %get3A_329 = tpu.vector_load %arg16[%get3A_327, %get3A_328] {strides = array<i32>} : memref<128x128xf32, #tpu.memory_space<vmem>>, vector<16xf32>,
        %mul3A_330 = arith.mulf %get3A_329, %gather3A_277 : vector<16xf32>
        %swap3A_331 = arith.index_cast %add3A_275 : i32 to index
        %swap3A_332 = arith.constant 112 : index
        %swap3A_333 = tpu.vector_load %arg16[%swap3A_331, %swap3A_332] {strides = array<i32>} : memref<128x128xf32, #tpu.memory_space<vmem>>, vector<16xf32>,
        tpu.vector_store %arg16[%swap3A_331, %swap3A_332], %mul3A_330 {strides = array<i32>} : memref<128x128xf32, #tpu.memory_space<vmem>>, vector<16xf32>,
        %scan3A_334 = arith.constant 1 : i32
        %scan3A_335 = arith.addi %scan3A_271, %scan3A_334 : i32
        %mul3A_336 = arith.constant 1 : i32
        %mul3A_337 = arith.muli %scan3A_335, %mul3A_336 : i32
        %add3A_338 = arith.constant 0 : i32
        %add3A_339 = arith.addi %add3A_338, %mul3A_337 : i32
        %broadcast_in_dim3A_340 = vector.broadcast %add3A_339 : i32 to vector<16xi32>
        %gather3A_341 = tpu.vector_load_idx %arg15[%broadcast_in_dim3A_340] : memref<128xf32, #tpu.memory_space<vmem>>[vector<16xi32>], vector<16xf32>,
        %get3A_342 = arith.index_cast %add3A_339 : i32 to index
        %get3A_343 = arith.constant 0 : index
        %get3A_344 = tpu.vector_load %arg16[%get3A_342, %get3A_343] {strides = array<i32>} : memref<128x128xf32, #tpu.memory_space<vmem>>, vector<16xf32>,
        %mul3A_345 = arith.mulf %get3A_344, %gather3A_341 : vector<16xf32>
        %swap3A_346 = arith.index_cast %add3A_339 : i32 to index
        %swap3A_347 = arith.constant 0 : index
        %swap3A_348 = tpu.vector_load %arg16[%swap3A_346, %swap3A_347] {strides = array<i32>} : memref<128x128xf32, #tpu.memory_space<vmem>>, vector<16xf32>,
        tpu.vector_store %arg16[%swap3A_346, %swap3A_347], %mul3A_345 {strides = array<i32>} : memref<128x128xf32, #tpu.memory_space<vmem>>, vector<16xf32>,
        %get3A_349 = arith.index_cast %add3A_339 : i32 to index
        %get3A_350 = arith.constant 16 : index
        %get3A_351 = tpu.vector_load %arg16[%get3A_349, %get3A_350] {strides = array<i32>} : memref<128x128xf32, #tpu.memory_space<vmem>>, vector<16xf32>,
        %mul3A_352 = arith.mulf %get3A_351, %gather3A_341 : vector<16xf32>
        %swap3A_353 = arith.index_cast %add3A_339 : i32 to index
        %swap3A_354 = arith.constant 16 : index
        %swap3A_355 = tpu.vector_load %arg16[%swap3A_353, %swap3A_354] {strides = array<i32>} : memref<128x128xf32, #tpu.memory_space<vmem>>, vector<16xf32>,
        tpu.vector_store %arg16[%swap3A_353, %swap3A_354], %mul3A_352 {strides = array<i32>} : memref<128x128xf32, #tpu.memory_space<vmem>>, vector<16xf32>,
        %get3A_356 = arith.index_cast %add3A_339 : i32 to index
        %get3A_357 = arith.constant 32 : index
        %get3A_358 = tpu.vector_load %arg16[%get3A_356, %get3A_357] {strides = array<i32>} : memref<128x128xf32, #tpu.memory_space<vmem>>, vector<16xf32>,
        %mul3A_359 = arith.mulf %get3A_358, %gather3A_341 : vector<16xf32>
        %swap3A_360 = arith.index_cast %add3A_339 : i32 to index
        %swap3A_361 = arith.constant 32 : index
        %swap3A_362 = tpu.vector_load %arg16[%swap3A_360, %swap3A_361] {strides = array<i32>} : memref<128x128xf32, #tpu.memory_space<vmem>>, vector<16xf32>,
        tpu.vector_store %arg16[%swap3A_360, %swap3A_361], %mul3A_359 {strides = array<i32>} : memref<128x128xf32, #tpu.memory_space<vmem>>, vector<16xf32>,
        %get3A_363 = arith.index_cast %add3A_339 : i32 to index
        %get3A_364 = arith.constant 48 : index
        %get3A_365 = tpu.vector_load %arg16[%get3A_363, %get3A_364] {strides = array<i32>} : memref<128x128xf32, #tpu.memory_space<vmem>>, vector<16xf32>,
        %mul3A_366 = arith.mulf %get3A_365, %gather3A_341 : vector<16xf32>
        %swap3A_367 = arith.index_cast %add3A_339 : i32 to index
        %swap3A_368 = arith.constant 48 : index
        %swap3A_369 = tpu.vector_load %arg16[%swap3A_367, %swap3A_368] {strides = array<i32>} : memref<128x128xf32, #tpu.memory_space<vmem>>, vector<16xf32>,
        tpu.vector_store %arg16[%swap3A_367, %swap3A_368], %mul3A_366 {strides = array<i32>} : memref<128x128xf32, #tpu.memory_space<vmem>>, vector<16xf32>,
        %get3A_370 = arith.index_cast %add3A_339 : i32 to index
        %get3A_371 = arith.constant 64 : index
        %get3A_372 = tpu.vector_load %arg16[%get3A_370, %get3A_371] {strides = array<i32>} : memref<128x128xf32, #tpu.memory_space<vmem>>, vector<16xf32>,
        %mul3A_373 = arith.mulf %get3A_372, %gather3A_341 : vector<16xf32>
        %swap3A_374 = arith.index_cast %add3A_339 : i32 to index
        %swap3A_375 = arith.constant 64 : index
        %swap3A_376 = tpu.vector_load %arg16[%swap3A_374, %swap3A_375] {strides = array<i32>} : memref<128x128xf32, #tpu.memory_space<vmem>>, vector<16xf32>,
        tpu.vector_store %arg16[%swap3A_374, %swap3A_375], %mul3A_373 {strides = array<i32>} : memref<128x128xf32, #tpu.memory_space<vmem>>, vector<16xf32>,
        %get3A_377 = arith.index_cast %add3A_339 : i32 to index
        %get3A_378 = arith.constant 80 : index
        %get3A_379 = tpu.vector_load %arg16[%get3A_377, %get3A_378] {strides = array<i32>} : memref<128x128xf32, #tpu.memory_space<vmem>>, vector<16xf32>,
        %mul3A_380 = arith.mulf %get3A_379, %gather3A_341 : vector<16xf32>
        %swap3A_381 = arith.index_cast %add3A_339 : i32 to index
        %swap3A_382 = arith.constant 80 : index
        %swap3A_383 = tpu.vector_load %arg16[%swap3A_381, %swap3A_382] {strides = array<i32>} : memref<128x128xf32, #tpu.memory_space<vmem>>, vector<16xf32>,
        tpu.vector_store %arg16[%swap3A_381, %swap3A_382], %mul3A_380 {strides = array<i32>} : memref<128x128xf32, #tpu.memory_space<vmem>>, vector<16xf32>,
        %get3A_384 = arith.index_cast %add3A_339 : i32 to index
        %get3A_385 = arith.constant 96 : index
        %get3A_386 = tpu.vector_load %arg16[%get3A_384, %get3A_385] {strides = array<i32>} : memref<128x128xf32, #tpu.memory_space<vmem>>, vector<16xf32>,
        %mul3A_387 = arith.mulf %get3A_386, %gather3A_341 : vector<16xf32>
        %swap3A_388 = arith.index_cast %add3A_339 : i32 to index
        %swap3A_389 = arith.constant 96 : index
        %swap3A_390 = tpu.vector_load %arg16[%swap3A_388, %swap3A_389] {strides = array<i32>} : memref<128x128xf32, #tpu.memory_space<vmem>>, vector<16xf32>,
        tpu.vector_store %arg16[%swap3A_388, %swap3A_389], %mul3A_387 {strides = array<i32>} : memref<128x128xf32, #tpu.memory_space<vmem>>, vector<16xf32>,
        %get3A_391 = arith.index_cast %add3A_339 : i32 to index
        %get3A_392 = arith.constant 112 : index
        %get3A_393 = tpu.vector_load %arg16[%get3A_391, %get3A_392] {strides = array<i32>} : memref<128x128xf32, #tpu.memory_space<vmem>>, vector<16xf32>,
        %mul3A_394 = arith.mulf %get3A_393, %gather3A_341 : vector<16xf32>
        %swap3A_395 = arith.index_cast %add3A_339 : i32 to index
        %swap3A_396 = arith.constant 112 : index
        %swap3A_397 = tpu.vector_load %arg16[%swap3A_395, %swap3A_396] {strides = array<i32>} : memref<128x128xf32, #tpu.memory_space<vmem>>, vector<16xf32>,
        tpu.vector_store %arg16[%swap3A_395, %swap3A_396], %mul3A_394 {strides = array<i32>} : memref<128x128xf32, #tpu.memory_space<vmem>>, vector<16xf32>,
        %scan3A_398 = arith.constant 2 : i32
        %scan3A_399 = arith.addi %scan3A_271, %scan3A_398 : i32
        %mul3A_400 = arith.constant 1 : i32
        %mul3A_401 = arith.muli %scan3A_399, %mul3A_400 : i32
        %add3A_402 = arith.constant 0 : i32
        %add3A_403 = arith.addi %add3A_402, %mul3A_401 : i32
        %broadcast_in_dim3A_404 = vector.broadcast %add3A_403 : i32 to vector<16xi32>
        %gather3A_405 = tpu.vector_load_idx %arg15[%broadcast_in_dim3A_404] : memref<128xf32, #tpu.memory_space<vmem>>[vector<16xi32>], vector<16xf32>,
        %get3A_406 = arith.index_cast %add3A_403 : i32 to index
        %get3A_407 = arith.constant 0 : index
        %get3A_408 = tpu.vector_load %arg16[%get3A_406, %get3A_407] {strides = array<i32>} : memref<128x128xf32, #tpu.memory_space<vmem>>, vector<16xf32>,
        %mul3A_409 = arith.mulf %get3A_408, %gather3A_405 : vector<16xf32>
        %swap3A_410 = arith.index_cast %add3A_403 : i32 to index
        %swap3A_411 = arith.constant 0 : index
        %swap3A_412 = tpu.vector_load %arg16[%swap3A_410, %swap3A_411] {strides = array<i32>} : memref<128x128xf32, #tpu.memory_space<vmem>>, vector<16xf32>,
        tpu.vector_store %arg16[%swap3A_410, %swap3A_411], %mul3A_409 {strides = array<i32>} : memref<128x128xf32, #tpu.memory_space<vmem>>, vector<16xf32>,
        %get3A_413 = arith.index_cast %add3A_403 : i32 to index
        %get3A_414 = arith.constant 16 : index
        %get3A_415 = tpu.vector_load %arg16[%get3A_413, %get3A_414] {strides = array<i32>} : memref<128x128xf32, #tpu.memory_space<vmem>>, vector<16xf32>,
        %mul3A_416 = arith.mulf %get3A_415, %gather3A_405 : vector<16xf32>
        %swap3A_417 = arith.index_cast %add3A_403 : i32 to index
        %swap3A_418 = arith.constant 16 : index
        %swap3A_419 = tpu.vector_load %arg16[%swap3A_417, %swap3A_418] {strides = array<i32>} : memref<128x128xf32, #tpu.memory_space<vmem>>, vector<16xf32>,
        tpu.vector_store %arg16[%swap3A_417, %swap3A_418], %mul3A_416 {strides = array<i32>} : memref<128x128xf32, #tpu.memory_space<vmem>>, vector<16xf32>,
        %get3A_420 = arith.index_cast %add3A_403 : i32 to index
        %get3A_421 = arith.constant 32 : index
        %get3A_422 = tpu.vector_load %arg16[%get3A_420, %get3A_421] {strides = array<i32>} : memref<128x128xf32, #tpu.memory_space<vmem>>, vector<16xf32>,
        %mul3A_423 = arith.mulf %get3A_422, %gather3A_405 : vector<16xf32>
        %swap3A_424 = arith.index_cast %add3A_403 : i32 to index
        %swap3A_425 = arith.constant 32 : index
        %swap3A_426 = tpu.vector_load %arg16[%swap3A_424, %swap3A_425] {strides = array<i32>} : memref<128x128xf32, #tpu.memory_space<vmem>>, vector<16xf32>,
        tpu.vector_store %arg16[%swap3A_424, %swap3A_425], %mul3A_423 {strides = array<i32>} : memref<128x128xf32, #tpu.memory_space<vmem>>, vector<16xf32>,
        %get3A_427 = arith.index_cast %add3A_403 : i32 to index
        %get3A_428 = arith.constant 48 : index
        %get3A_429 = tpu.vector_load %arg16[%get3A_427, %get3A_428] {strides = array<i32>} : memref<128x128xf32, #tpu.memory_space<vmem>>, vector<16xf32>,
        %mul3A_430 = arith.mulf %get3A_429, %gather3A_405 : vector<16xf32>
        %swap3A_431 = arith.index_cast %add3A_403 : i32 to index
        %swap3A_432 = arith.constant 48 : index
        %swap3A_433 = tpu.vector_load %arg16[%swap3A_431, %swap3A_432] {strides = array<i32>} : memref<128x128xf32, #tpu.memory_space<vmem>>, vector<16xf32>,
        tpu.vector_store %arg16[%swap3A_431, %swap3A_432], %mul3A_430 {strides = array<i32>} : memref<128x128xf32, #tpu.memory_space<vmem>>, vector<16xf32>,
        %get3A_434 = arith.index_cast %add3A_403 : i32 to index
        %get3A_435 = arith.constant 64 : index
        %get3A_436 = tpu.vector_load %arg16[%get3A_434, %get3A_435] {strides = array<i32>} : memref<128x128xf32, #tpu.memory_space<vmem>>, vector<16xf32>,
        %mul3A_437 = arith.mulf %get3A_436, %gather3A_405 : vector<16xf32>
        %swap3A_438 = arith.index_cast %add3A_403 : i32 to index
        %swap3A_439 = arith.constant 64 : index
        %swap3A_440 = tpu.vector_load %arg16[%swap3A_438, %swap3A_439] {strides = array<i32>} : memref<128x128xf32, #tpu.memory_space<vmem>>, vector<16xf32>,
        tpu.vector_store %arg16[%swap3A_438, %swap3A_439], %mul3A_437 {strides = array<i32>} : memref<128x128xf32, #tpu.memory_space<vmem>>, vector<16xf32>,
        %get3A_441 = arith.index_cast %add3A_403 : i32 to index
        %get3A_442 = arith.constant 80 : index
        %get3A_443 = tpu.vector_load %arg16[%get3A_441, %get3A_442] {strides = array<i32>} : memref<128x128xf32, #tpu.memory_space<vmem>>, vector<16xf32>,
        %mul3A_444 = arith.mulf %get3A_443, %gather3A_405 : vector<16xf32>
        %swap3A_445 = arith.index_cast %add3A_403 : i32 to index
        %swap3A_446 = arith.constant 80 : index
        %swap3A_447 = tpu.vector_load %arg16[%swap3A_445, %swap3A_446] {strides = array<i32>} : memref<128x128xf32, #tpu.memory_space<vmem>>, vector<16xf32>,
        tpu.vector_store %arg16[%swap3A_445, %swap3A_446], %mul3A_444 {strides = array<i32>} : memref<128x128xf32, #tpu.memory_space<vmem>>, vector<16xf32>,
        %get3A_448 = arith.index_cast %add3A_403 : i32 to index
        %get3A_449 = arith.constant 96 : index
        %get3A_450 = tpu.vector_load %arg16[%get3A_448, %get3A_449] {strides = array<i32>} : memref<128x128xf32, #tpu.memory_space<vmem>>, vector<16xf32>,
        %mul3A_451 = arith.mulf %get3A_450, %gather3A_405 : vector<16xf32>
        %swap3A_452 = arith.index_cast %add3A_403 : i32 to index
        %swap3A_453 = arith.constant 96 : index
        %swap3A_454 = tpu.vector_load %arg16[%swap3A_452, %swap3A_453] {strides = array<i32>} : memref<128x128xf32, #tpu.memory_space<vmem>>, vector<16xf32>,
        tpu.vector_store %arg16[%swap3A_452, %swap3A_453], %mul3A_451 {strides = array<i32>} : memref<128x128xf32, #tpu.memory_space<vmem>>, vector<16xf32>,
        %get3A_455 = arith.index_cast %add3A_403 : i32 to index
        %get3A_456 = arith.constant 112 : index
        %get3A_457 = tpu.vector_load %arg16[%get3A_455, %get3A_456] {strides = array<i32>} : memref<128x128xf32, #tpu.memory_space<vmem>>, vector<16xf32>,
        %mul3A_458 = arith.mulf %get3A_457, %gather3A_405 : vector<16xf32>
        %swap3A_459 = arith.index_cast %add3A_403 : i32 to index
        %swap3A_460 = arith.constant 112 : index
        %swap3A_461 = tpu.vector_load %arg16[%swap3A_459, %swap3A_460] {strides = array<i32>} : memref<128x128xf32, #tpu.memory_space<vmem>>, vector<16xf32>,
        tpu.vector_store %arg16[%swap3A_459, %swap3A_460], %mul3A_458 {strides = array<i32>} : memref<128x128xf32, #tpu.memory_space<vmem>>, vector<16xf32>,
        %scan3A_462 = arith.constant 3 : i32
        %scan3A_463 = arith.addi %scan3A_271, %scan3A_462 : i32
        %mul3A_464 = arith.constant 1 : i32
        %mul3A_465 = arith.muli %scan3A_463, %mul3A_464 : i32
        %add3A_466 = arith.constant 0 : i32
        %add3A_467 = arith.addi %add3A_466, %mul3A_465 : i32
        %broadcast_in_dim3A_468 = vector.broadcast %add3A_467 : i32 to vector<16xi32>
        %gather3A_469 = tpu.vector_load_idx %arg15[%broadcast_in_dim3A_468] : memref<128xf32, #tpu.memory_space<vmem>>[vector<16xi32>], vector<16xf32>,
        %get3A_470 = arith.index_cast %add3A_467 : i32 to index
        %get3A_471 = arith.constant 0 : index
        %get3A_472 = tpu.vector_load %arg16[%get3A_470, %get3A_471] {strides = array<i32>} : memref<128x128xf32, #tpu.memory_space<vmem>>, vector<16xf32>,
        %mul3A_473 = arith.mulf %get3A_472, %gather3A_469 : vector<16xf32>
        %swap3A_474 = arith.index_cast %add3A_467 : i32 to index
        %swap3A_475 = arith.constant 0 : index
        %swap3A_476 = tpu.vector_load %arg16[%swap3A_474, %swap3A_475] {strides = array<i32>} : memref<128x128xf32, #tpu.memory_space<vmem>>, vector<16xf32>,
        tpu.vector_store %arg16[%swap3A_474, %swap3A_475], %mul3A_473 {strides = array<i32>} : memref<128x128xf32, #tpu.memory_space<vmem>>, vector<16xf32>,
        %get3A_477 = arith.index_cast %add3A_467 : i32 to index
        %get3A_478 = arith.constant 16 : index
        %get3A_479 = tpu.vector_load %arg16[%get3A_477, %get3A_478] {strides = array<i32>} : memref<128x128xf32, #tpu.memory_space<vmem>>, vector<16xf32>,
        %mul3A_480 = arith.mulf %get3A_479, %gather3A_469 : vector<16xf32>
        %swap3A_481 = arith.index_cast %add3A_467 : i32 to index
        %swap3A_482 = arith.constant 16 : index
        %swap3A_483 = tpu.vector_load %arg16[%swap3A_481, %swap3A_482] {strides = array<i32>} : memref<128x128xf32, #tpu.memory_space<vmem>>, vector<16xf32>,
        tpu.vector_store %arg16[%swap3A_481, %swap3A_482], %mul3A_480 {strides = array<i32>} : memref<128x128xf32, #tpu.memory_space<vmem>>, vector<16xf32>,
        %get3A_484 = arith.index_cast %add3A_467 : i32 to index
        %get3A_485 = arith.constant 32 : index
        %get3A_486 = tpu.vector_load %arg16[%get3A_484, %get3A_485] {strides = array<i32>} : memref<128x128xf32, #tpu.memory_space<vmem>>, vector<16xf32>,
        %mul3A_487 = arith.mulf %get3A_486, %gather3A_469 : vector<16xf32>
        %swap3A_488 = arith.index_cast %add3A_467 : i32 to index
        %swap3A_489 = arith.constant 32 : index
        %swap3A_490 = tpu.vector_load %arg16[%swap3A_488, %swap3A_489] {strides = array<i32>} : memref<128x128xf32, #tpu.memory_space<vmem>>, vector<16xf32>,
        tpu.vector_store %arg16[%swap3A_488, %swap3A_489], %mul3A_487 {strides = array<i32>} : memref<128x128xf32, #tpu.memory_space<vmem>>, vector<16xf32>,
        %get3A_491 = arith.index_cast %add3A_467 : i32 to index
        %get3A_492 = arith.constant 48 : index
        %get3A_493 = tpu.vector_load %arg16[%get3A_491, %get3A_492] {strides = array<i32>} : memref<128x128xf32, #tpu.memory_space<vmem>>, vector<16xf32>,
        %mul3A_494 = arith.mulf %get3A_493, %gather3A_469 : vector<16xf32>
        %swap3A_495 = arith.index_cast %add3A_467 : i32 to index
        %swap3A_496 = arith.constant 48 : index
        %swap3A_497 = tpu.vector_load %arg16[%swap3A_495, %swap3A_496] {strides = array<i32>} : memref<128x128xf32, #tpu.memory_space<vmem>>, vector<16xf32>,
        tpu.vector_store %arg16[%swap3A_495, %swap3A_496], %mul3A_494 {strides = array<i32>} : memref<128x128xf32, #tpu.memory_space<vmem>>, vector<16xf32>,
        %get3A_498 = arith.index_cast %add3A_467 : i32 to index
        %get3A_499 = arith.constant 64 : index
        %get3A_500 = tpu.vector_load %arg16[%get3A_498, %get3A_499] {strides = array<i32>} : memref<128x128xf32, #tpu.memory_space<vmem>>, vector<16xf32>,
        %mul3A_501 = arith.mulf %get3A_500, %gather3A_469 : vector<16xf32>
        %swap3A_502 = arith.index_cast %add3A_467 : i32 to index
        %swap3A_503 = arith.constant 64 : index
        %swap3A_504 = tpu.vector_load %arg16[%swap3A_502, %swap3A_503] {strides = array<i32>} : memref<128x128xf32, #tpu.memory_space<vmem>>, vector<16xf32>,
        tpu.vector_store %arg16[%swap3A_502, %swap3A_503], %mul3A_501 {strides = array<i32>} : memref<128x128xf32, #tpu.memory_space<vmem>>, vector<16xf32>,
        %get3A_505 = arith.index_cast %add3A_467 : i32 to index
        %get3A_506 = arith.constant 80 : index
        %get3A_507 = tpu.vector_load %arg16[%get3A_505, %get3A_506] {strides = array<i32>} : memref<128x128xf32, #tpu.memory_space<vmem>>, vector<16xf32>,
        %mul3A_508 = arith.mulf %get3A_507, %gather3A_469 : vector<16xf32>
        %swap3A_509 = arith.index_cast %add3A_467 : i32 to index
        %swap3A_510 = arith.constant 80 : index
        %swap3A_511 = tpu.vector_load %arg16[%swap3A_509, %swap3A_510] {strides = array<i32>} : memref<128x128xf32, #tpu.memory_space<vmem>>, vector<16xf32>,
        tpu.vector_store %arg16[%swap3A_509, %swap3A_510], %mul3A_508 {strides = array<i32>} : memref<128x128xf32, #tpu.memory_space<vmem>>, vector<16xf32>,
        %get3A_512 = arith.index_cast %add3A_467 : i32 to index
        %get3A_513 = arith.constant 96 : index
        %get3A_514 = tpu.vector_load %arg16[%get3A_512, %get3A_513] {strides = array<i32>} : memref<128x128xf32, #tpu.memory_space<vmem>>, vector<16xf32>,
        %mul3A_515 = arith.mulf %get3A_514, %gather3A_469 : vector<16xf32>
        %swap3A_516 = arith.index_cast %add3A_467 : i32 to index
        %swap3A_517 = arith.constant 96 : index
        %swap3A_518 = tpu.vector_load %arg16[%swap3A_516, %swap3A_517] {strides = array<i32>} : memref<128x128xf32, #tpu.memory_space<vmem>>, vector<16xf32>,
        tpu.vector_store %arg16[%swap3A_516, %swap3A_517], %mul3A_515 {strides = array<i32>} : memref<128x128xf32, #tpu.memory_space<vmem>>, vector<16xf32>,
        %get3A_519 = arith.index_cast %add3A_467 : i32 to index
        %get3A_520 = arith.constant 112 : index
        %get3A_521 = tpu.vector_load %arg16[%get3A_519, %get3A_520] {strides = array<i32>} : memref<128x128xf32, #tpu.memory_space<vmem>>, vector<16xf32>,
        %mul3A_522 = arith.mulf %get3A_521, %gather3A_469 : vector<16xf32>
        %swap3A_523 = arith.index_cast %add3A_467 : i32 to index
        %swap3A_524 = arith.constant 112 : index
        %swap3A_525 = tpu.vector_load %arg16[%swap3A_523, %swap3A_524] {strides = array<i32>} : memref<128x128xf32, #tpu.memory_space<vmem>>, vector<16xf32>,
        tpu.vector_store %arg16[%swap3A_523, %swap3A_524], %mul3A_522 {strides = array<i32>} : memref<128x128xf32, #tpu.memory_space<vmem>>, vector<16xf32>,
      }
      %scan3A_270 = arith.constant 128 : i32
      "tpu.region"() ({
        %run_scoped3A = tpu.sem_alloc : memref<!tpu.dma_semaphore, #tpu.memory_space<semaphore_mem>>
        %dma_start3A_271 = arith.constant 0 : i32
        %dma_start3A_272 = arith.constant 0 : i32
        %dma_start3A_273 = tpu.memref_slice %arg23[%dma_start3A_271, %dma_start3A_272] : memref<10112x128xf32, #tpu.memory_space<vmem_shared>> -> memref<10112x128xf32, #tpu.memory_space<vmem_shared>>
        tpu.enqueue_indirect_dma source(%arg16 : memref<128x128xf32, #tpu.memory_space<vmem>>) target(%dma_start3A_273 : memref<10112x128xf32, #tpu.memory_space<vmem_shared>>) offsets(%arg13 : memref<128xi32, #tpu.memory_space<vmem>>) semaphore(%run_scoped3A : memref<!tpu.dma_semaphore, #tpu.memory_space<semaphore_mem>>) {add = true}
        %dma_wait3A_274 = arith.constant 0 : i32
        %dma_wait3A_275 = arith.constant 0 : i32
        %dma_wait3A_276 = tpu.memref_slice %arg23[%dma_wait3A_274, %dma_wait3A_275] : memref<10112x128xf32, #tpu.memory_space<vmem_shared>> -> memref<10112x128xf32, #tpu.memory_space<vmem_shared>>
        tpu.wait_indirect_dma semaphore(%run_scoped3A : memref<!tpu.dma_semaphore, #tpu.memory_space<semaphore_mem>>) src(%arg16 : memref<128x128xf32, #tpu.memory_space<vmem>>) dst(%dma_wait3A_276 : memref<10112x128xf32, #tpu.memory_space<vmem_shared>>)
        tpu.yield
      }) : () -> ()
    }
    %scan3A_32 = arith.constant 78 : i32
    %add3A_33 = arith.constant 9984 : i32
    %add3A_34 = arith.addi %mul3A_27, %add3A_33 : i32
    "tpu.region"() ({
      %run_scoped3A = tpu.sem_alloc : memref<!tpu.dma_semaphore, #tpu.memory_space<semaphore_mem>>
      %dma_start3A_76 = tpu.memref_slice %arg5[%add3A_34] : memref<320000xi32, #tpu.memory_space<hbm>> -> memref<16xi32, #tpu.memory_space<hbm>>
      %dma_start3A_77 = tpu.memref_slice %arg5[%add3A_34] : memref<320000xi32, #tpu.memory_space<hbm>> -> memref<16xi32, #tpu.memory_space<hbm>>
      tpu.enqueue_dma source(%dma_start3A_77 : memref<16xi32, #tpu.memory_space<hbm>>) target(%arg17 : memref<16xi32, #tpu.memory_space<vmem>>) target_semaphore(%run_scoped3A : memref<!tpu.dma_semaphore, #tpu.memory_space<semaphore_mem>>)
      %dma_wait3A_78 = tpu.memref_slice %arg5[%add3A_34] : memref<320000xi32, #tpu.memory_space<hbm>> -> memref<16xi32, #tpu.memory_space<hbm>>
      %dma_wait3A_79 = tpu.memref_slice %arg5[%add3A_34] : memref<320000xi32, #tpu.memory_space<hbm>> -> memref<16xi32, #tpu.memory_space<hbm>>
      tpu.wait_dma2 semaphore(%run_scoped3A : memref<!tpu.dma_semaphore, #tpu.memory_space<semaphore_mem>>) src(%dma_wait3A_79 : memref<16xi32, #tpu.memory_space<hbm>>) dst(%arg17 : memref<16xi32, #tpu.memory_space<vmem>>)
      tpu.yield
    }) : () -> ()
    "tpu.region"() ({
      %run_scoped3A = tpu.sem_alloc : memref<!tpu.dma_semaphore, #tpu.memory_space<semaphore_mem>>
      %dma_start3A_76 = tpu.memref_slice %arg6[%add3A_34] : memref<320000xi32, #tpu.memory_space<hbm>> -> memref<16xi32, #tpu.memory_space<hbm>>
      %dma_start3A_77 = tpu.memref_slice %arg6[%add3A_34] : memref<320000xi32, #tpu.memory_space<hbm>> -> memref<16xi32, #tpu.memory_space<hbm>>
      tpu.enqueue_dma source(%dma_start3A_77 : memref<16xi32, #tpu.memory_space<hbm>>) target(%arg18 : memref<16xi32, #tpu.memory_space<vmem>>) target_semaphore(%run_scoped3A : memref<!tpu.dma_semaphore, #tpu.memory_space<semaphore_mem>>)
      %dma_wait3A_78 = tpu.memref_slice %arg6[%add3A_34] : memref<320000xi32, #tpu.memory_space<hbm>> -> memref<16xi32, #tpu.memory_space<hbm>>
      %dma_wait3A_79 = tpu.memref_slice %arg6[%add3A_34] : memref<320000xi32, #tpu.memory_space<hbm>> -> memref<16xi32, #tpu.memory_space<hbm>>
      tpu.wait_dma2 semaphore(%run_scoped3A : memref<!tpu.dma_semaphore, #tpu.memory_space<semaphore_mem>>) src(%dma_wait3A_79 : memref<16xi32, #tpu.memory_space<hbm>>) dst(%arg18 : memref<16xi32, #tpu.memory_space<vmem>>)
      tpu.yield
    }) : () -> ()
    "tpu.region"() ({
      %run_scoped3A = tpu.sem_alloc : memref<!tpu.dma_semaphore, #tpu.memory_space<semaphore_mem>>
      %dma_start3A_76 = tpu.memref_slice %arg7[%add3A_34] : memref<320000xi32, #tpu.memory_space<hbm>> -> memref<16xi32, #tpu.memory_space<hbm>>
      %dma_start3A_77 = tpu.memref_slice %arg7[%add3A_34] : memref<320000xi32, #tpu.memory_space<hbm>> -> memref<16xi32, #tpu.memory_space<hbm>>
      tpu.enqueue_dma source(%dma_start3A_77 : memref<16xi32, #tpu.memory_space<hbm>>) target(%arg19 : memref<16xi32, #tpu.memory_space<vmem>>) target_semaphore(%run_scoped3A : memref<!tpu.dma_semaphore, #tpu.memory_space<semaphore_mem>>)
      %dma_wait3A_78 = tpu.memref_slice %arg7[%add3A_34] : memref<320000xi32, #tpu.memory_space<hbm>> -> memref<16xi32, #tpu.memory_space<hbm>>
      %dma_wait3A_79 = tpu.memref_slice %arg7[%add3A_34] : memref<320000xi32, #tpu.memory_space<hbm>> -> memref<16xi32, #tpu.memory_space<hbm>>
      tpu.wait_dma2 semaphore(%run_scoped3A : memref<!tpu.dma_semaphore, #tpu.memory_space<semaphore_mem>>) src(%dma_wait3A_79 : memref<16xi32, #tpu.memory_space<hbm>>) dst(%arg19 : memref<16xi32, #tpu.memory_space<vmem>>)
      tpu.yield
    }) : () -> ()
    %dma_start3A = arith.constant 0 : i32
    %dma_start3A_35 = arith.constant 0 : i32
    %dma_start3A_36 = tpu.memref_slice %arg2[%dma_start3A, %dma_start3A_35] : memref<10000x128xf32, #tpu.memory_space<hbm>> -> memref<10000x128xf32, #tpu.memory_space<hbm>>
    tpu.enqueue_indirect_dma source(%dma_start3A_36 : memref<10000x128xf32, #tpu.memory_space<hbm>>) target(%arg20 : memref<16x128xf32, #tpu.memory_space<vmem>>) offsets(%arg19 : memref<16xi32, #tpu.memory_space<vmem>>) semaphore(%arg22 : memref<!tpu.dma_semaphore, #tpu.memory_space<semaphore_mem>>)
    %dma_wait3A = arith.constant 0 : i32
    %dma_wait3A_37 = arith.constant 0 : i32
    %dma_wait3A_38 = tpu.memref_slice %arg2[%dma_wait3A, %dma_wait3A_37] : memref<10000x128xf32, #tpu.memory_space<hbm>> -> memref<10000x128xf32, #tpu.memory_space<hbm>>
    tpu.wait_indirect_dma semaphore(%arg22 : memref<!tpu.dma_semaphore, #tpu.memory_space<semaphore_mem>>) src(%dma_wait3A_38 : memref<10000x128xf32, #tpu.memory_space<hbm>>) dst(%arg20 : memref<16x128xf32, #tpu.memory_space<vmem>>)
    %get3A = arith.constant 0 : index
    %get3A_39 = tpu.vector_load %arg17[%get3A] {strides = array<i32>} : memref<16xi32, #tpu.memory_space<vmem>>, vector<16xi32>,
    %get3A_40 = arith.constant 0 : index
    %get3A_41 = tpu.vector_load %arg18[%get3A_40] {strides = array<i32>} : memref<16xi32, #tpu.memory_space<vmem>>, vector<16xi32>,
    %gather3A = tpu.vector_load_idx %arg10[%get3A_39] : memref<10000xf32, #tpu.memory_space<vmem>>[vector<16xi32>], vector<16xf32>,
    %gather3A_42 = tpu.vector_load_idx %arg11[%get3A_41] : memref<10000xf32, #tpu.memory_space<vmem>>[vector<16xi32>], vector<16xf32>,
    %add3A_43 = arith.addf %gather3A, %gather3A_42 : vector<16xf32>
    %max3A = arith.constant 0.000000e+00 : f32
    %max3A_44 = vector.broadcast %max3A : f32 to vector<16xf32>
    %max3A_45 = arith.maximumf %add3A_43, %max3A_44 : vector<16xf32>
    %neg3A = arith.constant 0.000000e+00 : f32
    %neg3A_46 = vector.broadcast %neg3A : f32 to vector<16xf32>
    %neg3A_47 = arith.subf %neg3A_46, %max3A_45 : vector<16xf32>
    %exp3A = math.exp %neg3A_47 : vector<16xf32>
    %add3A_48 = arith.constant 1.000000e+00 : f32
    %add3A_49 = vector.broadcast %add3A_48 : f32 to vector<16xf32>
    %add3A_50 = arith.addf %add3A_49, %exp3A : vector<16xf32>
    %div3A = arith.constant 1.000000e+00 : f32
    %div3A_51 = vector.broadcast %div3A : f32 to vector<16xf32>
    %div3A_52 = arith.divf %div3A_51, %add3A_50 : vector<16xf32>
    %swap3A = arith.constant 0 : index
    %swap3A_53 = tpu.vector_load %arg15[%swap3A] {strides = array<i32>} : memref<128xf32, #tpu.memory_space<vmem>>, vector<16xf32>,
    tpu.vector_store %arg15[%swap3A], %div3A_52 {strides = array<i32>} : memref<128xf32, #tpu.memory_space<vmem>>, vector<16xf32>,
    tpu.vector_store_idx %arg21[%get3A_41], %broadcast_in_dim3A_3 : memref<10112xf32, #tpu.memory_space<vmem>>[vector<16xi32>], vector<16xf32>,
    %scan3A_54 = arith.constant 0 : i32
    %scan3A_55 = arith.constant 16 : i32
    %scan3A_56 = arith.addi %scan3A_54, %scan3A_55 : i32
    %scan3A_57 = arith.constant 1 : i32
    scf.for %scan3A_76 = %scan3A_54 to %scan3A_56 step %scan3A_57  : i32 {
      %mul3A_77 = arith.constant 1 : i32
      %mul3A_78 = arith.muli %scan3A_76, %mul3A_77 : i32
      %add3A_79 = arith.constant 0 : i32
      %add3A_80 = arith.addi %add3A_79, %mul3A_78 : i32
      %broadcast_in_dim3A_81 = vector.broadcast %add3A_80 : i32 to vector<16xi32>
      %gather3A_82 = tpu.vector_load_idx %arg15[%broadcast_in_dim3A_81] : memref<128xf32, #tpu.memory_space<vmem>>[vector<16xi32>], vector<16xf32>,
      %get3A_83 = arith.index_cast %add3A_80 : i32 to index
      %get3A_84 = arith.constant 0 : index
      %get3A_85 = tpu.vector_load %arg20[%get3A_83, %get3A_84] {strides = array<i32>} : memref<16x128xf32, #tpu.memory_space<vmem>>, vector<16xf32>,
      %mul3A_86 = arith.mulf %get3A_85, %gather3A_82 : vector<16xf32>
      %swap3A_87 = arith.index_cast %add3A_80 : i32 to index
      %swap3A_88 = arith.constant 0 : index
      %swap3A_89 = tpu.vector_load %arg20[%swap3A_87, %swap3A_88] {strides = array<i32>} : memref<16x128xf32, #tpu.memory_space<vmem>>, vector<16xf32>,
      tpu.vector_store %arg20[%swap3A_87, %swap3A_88], %mul3A_86 {strides = array<i32>} : memref<16x128xf32, #tpu.memory_space<vmem>>, vector<16xf32>,
      %get3A_90 = arith.index_cast %add3A_80 : i32 to index
      %get3A_91 = arith.constant 16 : index
      %get3A_92 = tpu.vector_load %arg20[%get3A_90, %get3A_91] {strides = array<i32>} : memref<16x128xf32, #tpu.memory_space<vmem>>, vector<16xf32>,
      %mul3A_93 = arith.mulf %get3A_92, %gather3A_82 : vector<16xf32>
      %swap3A_94 = arith.index_cast %add3A_80 : i32 to index
      %swap3A_95 = arith.constant 16 : index
      %swap3A_96 = tpu.vector_load %arg20[%swap3A_94, %swap3A_95] {strides = array<i32>} : memref<16x128xf32, #tpu.memory_space<vmem>>, vector<16xf32>,
      tpu.vector_store %arg20[%swap3A_94, %swap3A_95], %mul3A_93 {strides = array<i32>} : memref<16x128xf32, #tpu.memory_space<vmem>>, vector<16xf32>,
      %get3A_97 = arith.index_cast %add3A_80 : i32 to index
      %get3A_98 = arith.constant 32 : index
      %get3A_99 = tpu.vector_load %arg20[%get3A_97, %get3A_98] {strides = array<i32>} : memref<16x128xf32, #tpu.memory_space<vmem>>, vector<16xf32>,
      %mul3A_100 = arith.mulf %get3A_99, %gather3A_82 : vector<16xf32>
      %swap3A_101 = arith.index_cast %add3A_80 : i32 to index
      %swap3A_102 = arith.constant 32 : index
      %swap3A_103 = tpu.vector_load %arg20[%swap3A_101, %swap3A_102] {strides = array<i32>} : memref<16x128xf32, #tpu.memory_space<vmem>>, vector<16xf32>,
      tpu.vector_store %arg20[%swap3A_101, %swap3A_102], %mul3A_100 {strides = array<i32>} : memref<16x128xf32, #tpu.memory_space<vmem>>, vector<16xf32>,
      %get3A_104 = arith.index_cast %add3A_80 : i32 to index
      %get3A_105 = arith.constant 48 : index
      %get3A_106 = tpu.vector_load %arg20[%get3A_104, %get3A_105] {strides = array<i32>} : memref<16x128xf32, #tpu.memory_space<vmem>>, vector<16xf32>,
      %mul3A_107 = arith.mulf %get3A_106, %gather3A_82 : vector<16xf32>
      %swap3A_108 = arith.index_cast %add3A_80 : i32 to index
      %swap3A_109 = arith.constant 48 : index
      %swap3A_110 = tpu.vector_load %arg20[%swap3A_108, %swap3A_109] {strides = array<i32>} : memref<16x128xf32, #tpu.memory_space<vmem>>, vector<16xf32>,
      tpu.vector_store %arg20[%swap3A_108, %swap3A_109], %mul3A_107 {strides = array<i32>} : memref<16x128xf32, #tpu.memory_space<vmem>>, vector<16xf32>,
      %get3A_111 = arith.index_cast %add3A_80 : i32 to index
      %get3A_112 = arith.constant 64 : index
      %get3A_113 = tpu.vector_load %arg20[%get3A_111, %get3A_112] {strides = array<i32>} : memref<16x128xf32, #tpu.memory_space<vmem>>, vector<16xf32>,
      %mul3A_114 = arith.mulf %get3A_113, %gather3A_82 : vector<16xf32>
      %swap3A_115 = arith.index_cast %add3A_80 : i32 to index
      %swap3A_116 = arith.constant 64 : index
      %swap3A_117 = tpu.vector_load %arg20[%swap3A_115, %swap3A_116] {strides = array<i32>} : memref<16x128xf32, #tpu.memory_space<vmem>>, vector<16xf32>,
      tpu.vector_store %arg20[%swap3A_115, %swap3A_116], %mul3A_114 {strides = array<i32>} : memref<16x128xf32, #tpu.memory_space<vmem>>, vector<16xf32>,
      %get3A_118 = arith.index_cast %add3A_80 : i32 to index
      %get3A_119 = arith.constant 80 : index
      %get3A_120 = tpu.vector_load %arg20[%get3A_118, %get3A_119] {strides = array<i32>} : memref<16x128xf32, #tpu.memory_space<vmem>>, vector<16xf32>,
      %mul3A_121 = arith.mulf %get3A_120, %gather3A_82 : vector<16xf32>
      %swap3A_122 = arith.index_cast %add3A_80 : i32 to index
      %swap3A_123 = arith.constant 80 : index
      %swap3A_124 = tpu.vector_load %arg20[%swap3A_122, %swap3A_123] {strides = array<i32>} : memref<16x128xf32, #tpu.memory_space<vmem>>, vector<16xf32>,
      tpu.vector_store %arg20[%swap3A_122, %swap3A_123], %mul3A_121 {strides = array<i32>} : memref<16x128xf32, #tpu.memory_space<vmem>>, vector<16xf32>,
      %get3A_125 = arith.index_cast %add3A_80 : i32 to index
      %get3A_126 = arith.constant 96 : index
      %get3A_127 = tpu.vector_load %arg20[%get3A_125, %get3A_126] {strides = array<i32>} : memref<16x128xf32, #tpu.memory_space<vmem>>, vector<16xf32>,
      %mul3A_128 = arith.mulf %get3A_127, %gather3A_82 : vector<16xf32>
      %swap3A_129 = arith.index_cast %add3A_80 : i32 to index
      %swap3A_130 = arith.constant 96 : index
      %swap3A_131 = tpu.vector_load %arg20[%swap3A_129, %swap3A_130] {strides = array<i32>} : memref<16x128xf32, #tpu.memory_space<vmem>>, vector<16xf32>,
      tpu.vector_store %arg20[%swap3A_129, %swap3A_130], %mul3A_128 {strides = array<i32>} : memref<16x128xf32, #tpu.memory_space<vmem>>, vector<16xf32>,
      %get3A_132 = arith.index_cast %add3A_80 : i32 to index
      %get3A_133 = arith.constant 112 : index
      %get3A_134 = tpu.vector_load %arg20[%get3A_132, %get3A_133] {strides = array<i32>} : memref<16x128xf32, #tpu.memory_space<vmem>>, vector<16xf32>,
      %mul3A_135 = arith.mulf %get3A_134, %gather3A_82 : vector<16xf32>
      %swap3A_136 = arith.index_cast %add3A_80 : i32 to index
      %swap3A_137 = arith.constant 112 : index
      %swap3A_138 = tpu.vector_load %arg20[%swap3A_136, %swap3A_137] {strides = array<i32>} : memref<16x128xf32, #tpu.memory_space<vmem>>, vector<16xf32>,
      tpu.vector_store %arg20[%swap3A_136, %swap3A_137], %mul3A_135 {strides = array<i32>} : memref<16x128xf32, #tpu.memory_space<vmem>>, vector<16xf32>,
    }
    %scan3A_58 = arith.constant 16 : i32
    "tpu.region"() ({
      %run_scoped3A = tpu.sem_alloc : memref<!tpu.dma_semaphore, #tpu.memory_space<semaphore_mem>>
      %dma_start3A_76 = arith.constant 0 : i32
      %dma_start3A_77 = arith.constant 0 : i32
      %dma_start3A_78 = tpu.memref_slice %arg23[%dma_start3A_76, %dma_start3A_77] : memref<10112x128xf32, #tpu.memory_space<vmem_shared>> -> memref<10112x128xf32, #tpu.memory_space<vmem_shared>>
      tpu.enqueue_indirect_dma source(%arg20 : memref<16x128xf32, #tpu.memory_space<vmem>>) target(%dma_start3A_78 : memref<10112x128xf32, #tpu.memory_space<vmem_shared>>) offsets(%arg18 : memref<16xi32, #tpu.memory_space<vmem>>) semaphore(%run_scoped3A : memref<!tpu.dma_semaphore, #tpu.memory_space<semaphore_mem>>) {add = true}
      %dma_wait3A_79 = arith.constant 0 : i32
      %dma_wait3A_80 = arith.constant 0 : i32
      %dma_wait3A_81 = tpu.memref_slice %arg23[%dma_wait3A_79, %dma_wait3A_80] : memref<10112x128xf32, #tpu.memory_space<vmem_shared>> -> memref<10112x128xf32, #tpu.memory_space<vmem_shared>>
      tpu.wait_indirect_dma semaphore(%run_scoped3A : memref<!tpu.dma_semaphore, #tpu.memory_space<semaphore_mem>>) src(%arg20 : memref<16x128xf32, #tpu.memory_space<vmem>>) dst(%dma_wait3A_81 : memref<10112x128xf32, #tpu.memory_space<vmem_shared>>)
      tpu.yield
    }) : () -> ()
    %barrier3A_59 = arith.constant 0 : index
    tpu.barrier barrier_id(%barrier3A_59)
    %add3A_60 = arith.constant 0 : i32
    %add3A_61 = arith.addi %mul3A_14, %add3A_60 : i32
    "tpu.region"() ({
      %run_scoped3A = tpu.sem_alloc : memref<!tpu.dma_semaphore, #tpu.memory_space<semaphore_mem>>
      %dma_start3A_76 = arith.constant 0 : i32
      %dma_start3A_77 = tpu.memref_slice %arg23[%add3A_61, %dma_start3A_76] : memref<10112x128xf32, #tpu.memory_space<vmem_shared>> -> memref<128x128xf32, #tpu.memory_space<vmem_shared>>
      %dma_start3A_78 = arith.constant 0 : i32
      %dma_start3A_79 = tpu.memref_slice %arg23[%add3A_61, %dma_start3A_78] : memref<10112x128xf32, #tpu.memory_space<vmem_shared>> -> memref<128x128xf32, #tpu.memory_space<vmem_shared>>
      tpu.enqueue_dma source(%dma_start3A_79 : memref<128x128xf32, #tpu.memory_space<vmem_shared>>) target(%arg16 : memref<128x128xf32, #tpu.memory_space<vmem>>) target_semaphore(%run_scoped3A : memref<!tpu.dma_semaphore, #tpu.memory_space<semaphore_mem>>)
      %dma_wait3A_80 = arith.constant 0 : i32
      %dma_wait3A_81 = tpu.memref_slice %arg23[%add3A_61, %dma_wait3A_80] : memref<10112x128xf32, #tpu.memory_space<vmem_shared>> -> memref<128x128xf32, #tpu.memory_space<vmem_shared>>
      %dma_wait3A_82 = arith.constant 0 : i32
      %dma_wait3A_83 = tpu.memref_slice %arg23[%add3A_61, %dma_wait3A_82] : memref<10112x128xf32, #tpu.memory_space<vmem_shared>> -> memref<128x128xf32, #tpu.memory_space<vmem_shared>>
      tpu.wait_dma2 semaphore(%run_scoped3A : memref<!tpu.dma_semaphore, #tpu.memory_space<semaphore_mem>>) src(%dma_wait3A_83 : memref<128x128xf32, #tpu.memory_space<vmem_shared>>) dst(%arg16 : memref<128x128xf32, #tpu.memory_space<vmem>>)
      tpu.yield
    }) : () -> ()
    "tpu.region"() ({
      %run_scoped3A = tpu.sem_alloc : memref<!tpu.dma_semaphore, #tpu.memory_space<semaphore_mem>>
      %dma_start3A_76 = arith.constant 0 : i32
      %dma_start3A_77 = tpu.memref_slice %arg8[%arg0, %add3A_61, %dma_start3A_76] : memref<2x10112x128xf32, #tpu.memory_space<hbm>> -> memref<1x128x128xf32, #tpu.memory_space<hbm>>
      %dma_start3A_78 = tpu.memref_squeeze %dma_start3A_77 : memref<1x128x128xf32, #tpu.memory_space<hbm>> -> memref<128x128xf32, #tpu.memory_space<hbm>>
      %dma_start3A_79 = arith.constant 0 : i32
      %dma_start3A_80 = tpu.memref_slice %arg8[%arg0, %add3A_61, %dma_start3A_79] : memref<2x10112x128xf32, #tpu.memory_space<hbm>> -> memref<1x128x128xf32, #tpu.memory_space<hbm>>
      %dma_start3A_81 = tpu.memref_squeeze %dma_start3A_80 : memref<1x128x128xf32, #tpu.memory_space<hbm>> -> memref<128x128xf32, #tpu.memory_space<hbm>>
      tpu.enqueue_dma source(%arg16 : memref<128x128xf32, #tpu.memory_space<vmem>>) target(%dma_start3A_81 : memref<128x128xf32, #tpu.memory_space<hbm>>) target_semaphore(%run_scoped3A : memref<!tpu.dma_semaphore, #tpu.memory_space<semaphore_mem>>)
      %dma_wait3A_82 = arith.constant 0 : i32
      %dma_wait3A_83 = tpu.memref_slice %arg8[%arg0, %add3A_61, %dma_wait3A_82] : memref<2x10112x128xf32, #tpu.memory_space<hbm>> -> memref<1x128x128xf32, #tpu.memory_space<hbm>>
      %dma_wait3A_84 = tpu.memref_squeeze %dma_wait3A_83 : memref<1x128x128xf32, #tpu.memory_space<hbm>> -> memref<128x128xf32, #tpu.memory_space<hbm>>
      %dma_wait3A_85 = arith.constant 0 : i32
      %dma_wait3A_86 = tpu.memref_slice %arg8[%arg0, %add3A_61, %dma_wait3A_85] : memref<2x10112x128xf32, #tpu.memory_space<hbm>> -> memref<1x128x128xf32, #tpu.memory_space<hbm>>
      %dma_wait3A_87 = tpu.memref_squeeze %dma_wait3A_86 : memref<1x128x128xf32, #tpu.memory_space<hbm>> -> memref<128x128xf32, #tpu.memory_space<hbm>>
      tpu.wait_dma2 semaphore(%run_scoped3A : memref<!tpu.dma_semaphore, #tpu.memory_space<semaphore_mem>>) src(%arg16 : memref<128x128xf32, #tpu.memory_space<vmem>>) dst(%dma_wait3A_87 : memref<128x128xf32, #tpu.memory_space<hbm>>)
      tpu.yield
    }) : () -> ()
    %add3A_62 = arith.constant 128 : i32
    %add3A_63 = arith.addi %mul3A_14, %add3A_62 : i32
    "tpu.region"() ({
      %run_scoped3A = tpu.sem_alloc : memref<!tpu.dma_semaphore, #tpu.memory_space<semaphore_mem>>
      %dma_start3A_76 = arith.constant 0 : i32
      %dma_start3A_77 = tpu.memref_slice %arg23[%add3A_63, %dma_start3A_76] : memref<10112x128xf32, #tpu.memory_space<vmem_shared>> -> memref<128x128xf32, #tpu.memory_space<vmem_shared>>
      %dma_start3A_78 = arith.constant 0 : i32
      %dma_start3A_79 = tpu.memref_slice %arg23[%add3A_63, %dma_start3A_78] : memref<10112x128xf32, #tpu.memory_space<vmem_shared>> -> memref<128x128xf32, #tpu.memory_space<vmem_shared>>
      tpu.enqueue_dma source(%dma_start3A_79 : memref<128x128xf32, #tpu.memory_space<vmem_shared>>) target(%arg16 : memref<128x128xf32, #tpu.memory_space<vmem>>) target_semaphore(%run_scoped3A : memref<!tpu.dma_semaphore, #tpu.memory_space<semaphore_mem>>)
      %dma_wait3A_80 = arith.constant 0 : i32
      %dma_wait3A_81 = tpu.memref_slice %arg23[%add3A_63, %dma_wait3A_80] : memref<10112x128xf32, #tpu.memory_space<vmem_shared>> -> memref<128x128xf32, #tpu.memory_space<vmem_shared>>
      %dma_wait3A_82 = arith.constant 0 : i32
      %dma_wait3A_83 = tpu.memref_slice %arg23[%add3A_63, %dma_wait3A_82] : memref<10112x128xf32, #tpu.memory_space<vmem_shared>> -> memref<128x128xf32, #tpu.memory_space<vmem_shared>>
      tpu.wait_dma2 semaphore(%run_scoped3A : memref<!tpu.dma_semaphore, #tpu.memory_space<semaphore_mem>>) src(%dma_wait3A_83 : memref<128x128xf32, #tpu.memory_space<vmem_shared>>) dst(%arg16 : memref<128x128xf32, #tpu.memory_space<vmem>>)
      tpu.yield
    }) : () -> ()
    "tpu.region"() ({
      %run_scoped3A = tpu.sem_alloc : memref<!tpu.dma_semaphore, #tpu.memory_space<semaphore_mem>>
      %dma_start3A_76 = arith.constant 0 : i32
      %dma_start3A_77 = tpu.memref_slice %arg8[%arg0, %add3A_63, %dma_start3A_76] : memref<2x10112x128xf32, #tpu.memory_space<hbm>> -> memref<1x128x128xf32, #tpu.memory_space<hbm>>
      %dma_start3A_78 = tpu.memref_squeeze %dma_start3A_77 : memref<1x128x128xf32, #tpu.memory_space<hbm>> -> memref<128x128xf32, #tpu.memory_space<hbm>>
      %dma_start3A_79 = arith.constant 0 : i32
      %dma_start3A_80 = tpu.memref_slice %arg8[%arg0, %add3A_63, %dma_start3A_79] : memref<2x10112x128xf32, #tpu.memory_space<hbm>> -> memref<1x128x128xf32, #tpu.memory_space<hbm>>
      %dma_start3A_81 = tpu.memref_squeeze %dma_start3A_80 : memref<1x128x128xf32, #tpu.memory_space<hbm>> -> memref<128x128xf32, #tpu.memory_space<hbm>>
      tpu.enqueue_dma source(%arg16 : memref<128x128xf32, #tpu.memory_space<vmem>>) target(%dma_start3A_81 : memref<128x128xf32, #tpu.memory_space<hbm>>) target_semaphore(%run_scoped3A : memref<!tpu.dma_semaphore, #tpu.memory_space<semaphore_mem>>)
      %dma_wait3A_82 = arith.constant 0 : i32
      %dma_wait3A_83 = tpu.memref_slice %arg8[%arg0, %add3A_63, %dma_wait3A_82] : memref<2x10112x128xf32, #tpu.memory_space<hbm>> -> memref<1x128x128xf32, #tpu.memory_space<hbm>>
      %dma_wait3A_84 = tpu.memref_squeeze %dma_wait3A_83 : memref<1x128x128xf32, #tpu.memory_space<hbm>> -> memref<128x128xf32, #tpu.memory_space<hbm>>
      %dma_wait3A_85 = arith.constant 0 : i32
      %dma_wait3A_86 = tpu.memref_slice %arg8[%arg0, %add3A_63, %dma_wait3A_85] : memref<2x10112x128xf32, #tpu.memory_space<hbm>> -> memref<1x128x128xf32, #tpu.memory_space<hbm>>
      %dma_wait3A_87 = tpu.memref_squeeze %dma_wait3A_86 : memref<1x128x128xf32, #tpu.memory_space<hbm>> -> memref<128x128xf32, #tpu.memory_space<hbm>>
      tpu.wait_dma2 semaphore(%run_scoped3A : memref<!tpu.dma_semaphore, #tpu.memory_space<semaphore_mem>>) src(%arg16 : memref<128x128xf32, #tpu.memory_space<vmem>>) dst(%dma_wait3A_87 : memref<128x128xf32, #tpu.memory_space<hbm>>)
      tpu.yield
    }) : () -> ()
    %add3A_64 = arith.constant 256 : i32
    %add3A_65 = arith.addi %mul3A_14, %add3A_64 : i32
    "tpu.region"() ({
      %run_scoped3A = tpu.sem_alloc : memref<!tpu.dma_semaphore, #tpu.memory_space<semaphore_mem>>
      %dma_start3A_76 = arith.constant 0 : i32
      %dma_start3A_77 = tpu.memref_slice %arg23[%add3A_65, %dma_start3A_76] : memref<10112x128xf32, #tpu.memory_space<vmem_shared>> -> memref<128x128xf32, #tpu.memory_space<vmem_shared>>
      %dma_start3A_78 = arith.constant 0 : i32
      %dma_start3A_79 = tpu.memref_slice %arg23[%add3A_65, %dma_start3A_78] : memref<10112x128xf32, #tpu.memory_space<vmem_shared>> -> memref<128x128xf32, #tpu.memory_space<vmem_shared>>
      tpu.enqueue_dma source(%dma_start3A_79 : memref<128x128xf32, #tpu.memory_space<vmem_shared>>) target(%arg16 : memref<128x128xf32, #tpu.memory_space<vmem>>) target_semaphore(%run_scoped3A : memref<!tpu.dma_semaphore, #tpu.memory_space<semaphore_mem>>)
      %dma_wait3A_80 = arith.constant 0 : i32
      %dma_wait3A_81 = tpu.memref_slice %arg23[%add3A_65, %dma_wait3A_80] : memref<10112x128xf32, #tpu.memory_space<vmem_shared>> -> memref<128x128xf32, #tpu.memory_space<vmem_shared>>
      %dma_wait3A_82 = arith.constant 0 : i32
      %dma_wait3A_83 = tpu.memref_slice %arg23[%add3A_65, %dma_wait3A_82] : memref<10112x128xf32, #tpu.memory_space<vmem_shared>> -> memref<128x128xf32, #tpu.memory_space<vmem_shared>>
      tpu.wait_dma2 semaphore(%run_scoped3A : memref<!tpu.dma_semaphore, #tpu.memory_space<semaphore_mem>>) src(%dma_wait3A_83 : memref<128x128xf32, #tpu.memory_space<vmem_shared>>) dst(%arg16 : memref<128x128xf32, #tpu.memory_space<vmem>>)
      tpu.yield
    }) : () -> ()
    "tpu.region"() ({
      %run_scoped3A = tpu.sem_alloc : memref<!tpu.dma_semaphore, #tpu.memory_space<semaphore_mem>>
      %dma_start3A_76 = arith.constant 0 : i32
      %dma_start3A_77 = tpu.memref_slice %arg8[%arg0, %add3A_65, %dma_start3A_76] : memref<2x10112x128xf32, #tpu.memory_space<hbm>> -> memref<1x128x128xf32, #tpu.memory_space<hbm>>
      %dma_start3A_78 = tpu.memref_squeeze %dma_start3A_77 : memref<1x128x128xf32, #tpu.memory_space<hbm>> -> memref<128x128xf32, #tpu.memory_space<hbm>>
      %dma_start3A_79 = arith.constant 0 : i32
      %dma_start3A_80 = tpu.memref_slice %arg8[%arg0, %add3A_65, %dma_start3A_79] : memref<2x10112x128xf32, #tpu.memory_space<hbm>> -> memref<1x128x128xf32, #tpu.memory_space<hbm>>
      %dma_start3A_81 = tpu.memref_squeeze %dma_start3A_80 : memref<1x128x128xf32, #tpu.memory_space<hbm>> -> memref<128x128xf32, #tpu.memory_space<hbm>>
      tpu.enqueue_dma source(%arg16 : memref<128x128xf32, #tpu.memory_space<vmem>>) target(%dma_start3A_81 : memref<128x128xf32, #tpu.memory_space<hbm>>) target_semaphore(%run_scoped3A : memref<!tpu.dma_semaphore, #tpu.memory_space<semaphore_mem>>)
      %dma_wait3A_82 = arith.constant 0 : i32
      %dma_wait3A_83 = tpu.memref_slice %arg8[%arg0, %add3A_65, %dma_wait3A_82] : memref<2x10112x128xf32, #tpu.memory_space<hbm>> -> memref<1x128x128xf32, #tpu.memory_space<hbm>>
      %dma_wait3A_84 = tpu.memref_squeeze %dma_wait3A_83 : memref<1x128x128xf32, #tpu.memory_space<hbm>> -> memref<128x128xf32, #tpu.memory_space<hbm>>
      %dma_wait3A_85 = arith.constant 0 : i32
      %dma_wait3A_86 = tpu.memref_slice %arg8[%arg0, %add3A_65, %dma_wait3A_85] : memref<2x10112x128xf32, #tpu.memory_space<hbm>> -> memref<1x128x128xf32, #tpu.memory_space<hbm>>
      %dma_wait3A_87 = tpu.memref_squeeze %dma_wait3A_86 : memref<1x128x128xf32, #tpu.memory_space<hbm>> -> memref<128x128xf32, #tpu.memory_space<hbm>>
      tpu.wait_dma2 semaphore(%run_scoped3A : memref<!tpu.dma_semaphore, #tpu.memory_space<semaphore_mem>>) src(%arg16 : memref<128x128xf32, #tpu.memory_space<vmem>>) dst(%dma_wait3A_87 : memref<128x128xf32, #tpu.memory_space<hbm>>)
      tpu.yield
    }) : () -> ()
    %add3A_66 = arith.constant 384 : i32
    %add3A_67 = arith.addi %mul3A_14, %add3A_66 : i32
    "tpu.region"() ({
      %run_scoped3A = tpu.sem_alloc : memref<!tpu.dma_semaphore, #tpu.memory_space<semaphore_mem>>
      %dma_start3A_76 = arith.constant 0 : i32
      %dma_start3A_77 = tpu.memref_slice %arg23[%add3A_67, %dma_start3A_76] : memref<10112x128xf32, #tpu.memory_space<vmem_shared>> -> memref<128x128xf32, #tpu.memory_space<vmem_shared>>
      %dma_start3A_78 = arith.constant 0 : i32
      %dma_start3A_79 = tpu.memref_slice %arg23[%add3A_67, %dma_start3A_78] : memref<10112x128xf32, #tpu.memory_space<vmem_shared>> -> memref<128x128xf32, #tpu.memory_space<vmem_shared>>
      tpu.enqueue_dma source(%dma_start3A_79 : memref<128x128xf32, #tpu.memory_space<vmem_shared>>) target(%arg16 : memref<128x128xf32, #tpu.memory_space<vmem>>) target_semaphore(%run_scoped3A : memref<!tpu.dma_semaphore, #tpu.memory_space<semaphore_mem>>)
      %dma_wait3A_80 = arith.constant 0 : i32
      %dma_wait3A_81 = tpu.memref_slice %arg23[%add3A_67, %dma_wait3A_80] : memref<10112x128xf32, #tpu.memory_space<vmem_shared>> -> memref<128x128xf32, #tpu.memory_space<vmem_shared>>
      %dma_wait3A_82 = arith.constant 0 : i32
      %dma_wait3A_83 = tpu.memref_slice %arg23[%add3A_67, %dma_wait3A_82] : memref<10112x128xf32, #tpu.memory_space<vmem_shared>> -> memref<128x128xf32, #tpu.memory_space<vmem_shared>>
      tpu.wait_dma2 semaphore(%run_scoped3A : memref<!tpu.dma_semaphore, #tpu.memory_space<semaphore_mem>>) src(%dma_wait3A_83 : memref<128x128xf32, #tpu.memory_space<vmem_shared>>) dst(%arg16 : memref<128x128xf32, #tpu.memory_space<vmem>>)
      tpu.yield
    }) : () -> ()
    "tpu.region"() ({
      %run_scoped3A = tpu.sem_alloc : memref<!tpu.dma_semaphore, #tpu.memory_space<semaphore_mem>>
      %dma_start3A_76 = arith.constant 0 : i32
      %dma_start3A_77 = tpu.memref_slice %arg8[%arg0, %add3A_67, %dma_start3A_76] : memref<2x10112x128xf32, #tpu.memory_space<hbm>> -> memref<1x128x128xf32, #tpu.memory_space<hbm>>
      %dma_start3A_78 = tpu.memref_squeeze %dma_start3A_77 : memref<1x128x128xf32, #tpu.memory_space<hbm>> -> memref<128x128xf32, #tpu.memory_space<hbm>>
      %dma_start3A_79 = arith.constant 0 : i32
      %dma_start3A_80 = tpu.memref_slice %arg8[%arg0, %add3A_67, %dma_start3A_79] : memref<2x10112x128xf32, #tpu.memory_space<hbm>> -> memref<1x128x128xf32, #tpu.memory_space<hbm>>
      %dma_start3A_81 = tpu.memref_squeeze %dma_start3A_80 : memref<1x128x128xf32, #tpu.memory_space<hbm>> -> memref<128x128xf32, #tpu.memory_space<hbm>>
      tpu.enqueue_dma source(%arg16 : memref<128x128xf32, #tpu.memory_space<vmem>>) target(%dma_start3A_81 : memref<128x128xf32, #tpu.memory_space<hbm>>) target_semaphore(%run_scoped3A : memref<!tpu.dma_semaphore, #tpu.memory_space<semaphore_mem>>)
      %dma_wait3A_82 = arith.constant 0 : i32
      %dma_wait3A_83 = tpu.memref_slice %arg8[%arg0, %add3A_67, %dma_wait3A_82] : memref<2x10112x128xf32, #tpu.memory_space<hbm>> -> memref<1x128x128xf32, #tpu.memory_space<hbm>>
      %dma_wait3A_84 = tpu.memref_squeeze %dma_wait3A_83 : memref<1x128x128xf32, #tpu.memory_space<hbm>> -> memref<128x128xf32, #tpu.memory_space<hbm>>
      %dma_wait3A_85 = arith.constant 0 : i32
      %dma_wait3A_86 = tpu.memref_slice %arg8[%arg0, %add3A_67, %dma_wait3A_85] : memref<2x10112x128xf32, #tpu.memory_space<hbm>> -> memref<1x128x128xf32, #tpu.memory_space<hbm>>
      %dma_wait3A_87 = tpu.memref_squeeze %dma_wait3A_86 : memref<1x128x128xf32, #tpu.memory_space<hbm>> -> memref<128x128xf32, #tpu.memory_space<hbm>>
      tpu.wait_dma2 semaphore(%run_scoped3A : memref<!tpu.dma_semaphore, #tpu.memory_space<semaphore_mem>>) src(%arg16 : memref<128x128xf32, #tpu.memory_space<vmem>>) dst(%dma_wait3A_87 : memref<128x128xf32, #tpu.memory_space<hbm>>)
      tpu.yield
    }) : () -> ()
    %add3A_68 = arith.constant 632 : i32
    %add3A_69 = arith.addi %mul3A_14, %add3A_68 : i32
    %sub3A_70 = arith.constant 120 : i32
    %sub3A_71 = arith.subi %add3A_69, %sub3A_70 : i32
    "tpu.region"() ({
      %run_scoped3A = tpu.sem_alloc : memref<!tpu.dma_semaphore, #tpu.memory_space<semaphore_mem>>
      %dma_start3A_76 = arith.constant 0 : i32
      %dma_start3A_77 = arith.constant 0 : i32
      %dma_start3A_78 = tpu.memref_slice %arg16[%dma_start3A_76, %dma_start3A_77] : memref<128x128xf32, #tpu.memory_space<vmem>> -> memref<120x128xf32, #tpu.memory_space<vmem>>
      %dma_start3A_79 = arith.constant 0 : i32
      %dma_start3A_80 = tpu.memref_slice %arg23[%sub3A_71, %dma_start3A_79] : memref<10112x128xf32, #tpu.memory_space<vmem_shared>> -> memref<120x128xf32, #tpu.memory_space<vmem_shared>>
      %dma_start3A_81 = arith.constant 0 : i32
      %dma_start3A_82 = arith.constant 0 : i32
      %dma_start3A_83 = tpu.memref_slice %arg16[%dma_start3A_81, %dma_start3A_82] : memref<128x128xf32, #tpu.memory_space<vmem>> -> memref<120x128xf32, #tpu.memory_space<vmem>>
      %dma_start3A_84 = arith.constant 0 : i32
      %dma_start3A_85 = tpu.memref_slice %arg23[%sub3A_71, %dma_start3A_84] : memref<10112x128xf32, #tpu.memory_space<vmem_shared>> -> memref<120x128xf32, #tpu.memory_space<vmem_shared>>
      tpu.enqueue_dma source(%dma_start3A_85 : memref<120x128xf32, #tpu.memory_space<vmem_shared>>) target(%dma_start3A_83 : memref<120x128xf32, #tpu.memory_space<vmem>>) target_semaphore(%run_scoped3A : memref<!tpu.dma_semaphore, #tpu.memory_space<semaphore_mem>>)
      %dma_wait3A_86 = arith.constant 0 : i32
      %dma_wait3A_87 = arith.constant 0 : i32
      %dma_wait3A_88 = tpu.memref_slice %arg16[%dma_wait3A_86, %dma_wait3A_87] : memref<128x128xf32, #tpu.memory_space<vmem>> -> memref<120x128xf32, #tpu.memory_space<vmem>>
      %dma_wait3A_89 = arith.constant 0 : i32
      %dma_wait3A_90 = tpu.memref_slice %arg23[%sub3A_71, %dma_wait3A_89] : memref<10112x128xf32, #tpu.memory_space<vmem_shared>> -> memref<120x128xf32, #tpu.memory_space<vmem_shared>>
      %dma_wait3A_91 = arith.constant 0 : i32
      %dma_wait3A_92 = arith.constant 0 : i32
      %dma_wait3A_93 = tpu.memref_slice %arg16[%dma_wait3A_91, %dma_wait3A_92] : memref<128x128xf32, #tpu.memory_space<vmem>> -> memref<120x128xf32, #tpu.memory_space<vmem>>
      %dma_wait3A_94 = arith.constant 0 : i32
      %dma_wait3A_95 = tpu.memref_slice %arg23[%sub3A_71, %dma_wait3A_94] : memref<10112x128xf32, #tpu.memory_space<vmem_shared>> -> memref<120x128xf32, #tpu.memory_space<vmem_shared>>
      tpu.wait_dma2 semaphore(%run_scoped3A : memref<!tpu.dma_semaphore, #tpu.memory_space<semaphore_mem>>) src(%dma_wait3A_95 : memref<120x128xf32, #tpu.memory_space<vmem_shared>>) dst(%dma_wait3A_93 : memref<120x128xf32, #tpu.memory_space<vmem>>)
      tpu.yield
    }) : () -> ()
    %add3A_72 = arith.constant 632 : i32
    %add3A_73 = arith.addi %mul3A_14, %add3A_72 : i32
    %sub3A_74 = arith.constant 120 : i32
    %sub3A_75 = arith.subi %add3A_73, %sub3A_74 : i32
    "tpu.region"() ({
      %run_scoped3A = tpu.sem_alloc : memref<!tpu.dma_semaphore, #tpu.memory_space<semaphore_mem>>
      %dma_start3A_76 = arith.constant 0 : i32
      %dma_start3A_77 = arith.constant 0 : i32
      %dma_start3A_78 = tpu.memref_slice %arg16[%dma_start3A_76, %dma_start3A_77] : memref<128x128xf32, #tpu.memory_space<vmem>> -> memref<120x128xf32, #tpu.memory_space<vmem>>
      %dma_start3A_79 = arith.constant 0 : i32
      %dma_start3A_80 = tpu.memref_slice %arg8[%arg0, %sub3A_75, %dma_start3A_79] : memref<2x10112x128xf32, #tpu.memory_space<hbm>> -> memref<1x120x128xf32, #tpu.memory_space<hbm>>
      %dma_start3A_81 = tpu.memref_squeeze %dma_start3A_80 : memref<1x120x128xf32, #tpu.memory_space<hbm>> -> memref<120x128xf32, #tpu.memory_space<hbm>>
      %dma_start3A_82 = arith.constant 0 : i32
      %dma_start3A_83 = tpu.memref_slice %arg8[%arg0, %sub3A_75, %dma_start3A_82] : memref<2x10112x128xf32, #tpu.memory_space<hbm>> -> memref<1x120x128xf32, #tpu.memory_space<hbm>>
      %dma_start3A_84 = tpu.memref_squeeze %dma_start3A_83 : memref<1x120x128xf32, #tpu.memory_space<hbm>> -> memref<120x128xf32, #tpu.memory_space<hbm>>
      %dma_start3A_85 = arith.constant 0 : i32
      %dma_start3A_86 = arith.constant 0 : i32
      %dma_start3A_87 = tpu.memref_slice %arg16[%dma_start3A_85, %dma_start3A_86] : memref<128x128xf32, #tpu.memory_space<vmem>> -> memref<120x128xf32, #tpu.memory_space<vmem>>
      tpu.enqueue_dma source(%dma_start3A_87 : memref<120x128xf32, #tpu.memory_space<vmem>>) target(%dma_start3A_84 : memref<120x128xf32, #tpu.memory_space<hbm>>) target_semaphore(%run_scoped3A : memref<!tpu.dma_semaphore, #tpu.memory_space<semaphore_mem>>)
      %dma_wait3A_88 = arith.constant 0 : i32
      %dma_wait3A_89 = arith.constant 0 : i32
      %dma_wait3A_90 = tpu.memref_slice %arg16[%dma_wait3A_88, %dma_wait3A_89] : memref<128x128xf32, #tpu.memory_space<vmem>> -> memref<120x128xf32, #tpu.memory_space<vmem>>
      %dma_wait3A_91 = arith.constant 0 : i32
      %dma_wait3A_92 = tpu.memref_slice %arg8[%arg0, %sub3A_75, %dma_wait3A_91] : memref<2x10112x128xf32, #tpu.memory_space<hbm>> -> memref<1x120x128xf32, #tpu.memory_space<hbm>>
      %dma_wait3A_93 = tpu.memref_squeeze %dma_wait3A_92 : memref<1x120x128xf32, #tpu.memory_space<hbm>> -> memref<120x128xf32, #tpu.memory_space<hbm>>
      %dma_wait3A_94 = arith.constant 0 : i32
      %dma_wait3A_95 = tpu.memref_slice %arg8[%arg0, %sub3A_75, %dma_wait3A_94] : memref<2x10112x128xf32, #tpu.memory_space<hbm>> -> memref<1x120x128xf32, #tpu.memory_space<hbm>>
      %dma_wait3A_96 = tpu.memref_squeeze %dma_wait3A_95 : memref<1x120x128xf32, #tpu.memory_space<hbm>> -> memref<120x128xf32, #tpu.memory_space<hbm>>
      %dma_wait3A_97 = arith.constant 0 : i32
      %dma_wait3A_98 = arith.constant 0 : i32
      %dma_wait3A_99 = tpu.memref_slice %arg16[%dma_wait3A_97, %dma_wait3A_98] : memref<128x128xf32, #tpu.memory_space<vmem>> -> memref<120x128xf32, #tpu.memory_space<vmem>>
      tpu.wait_dma2 semaphore(%run_scoped3A : memref<!tpu.dma_semaphore, #tpu.memory_space<semaphore_mem>>) src(%dma_wait3A_99 : memref<120x128xf32, #tpu.memory_space<vmem>>) dst(%dma_wait3A_96 : memref<120x128xf32, #tpu.memory_space<hbm>>)
      tpu.yield
    }) : () -> ()
    "tpu.region"() ({
      %run_scoped3A = tpu.sem_alloc : memref<!tpu.dma_semaphore, #tpu.memory_space<semaphore_mem>>
      %dma_start3A_76 = arith.constant 0 : i32
      %dma_start3A_77 = tpu.memref_slice %arg9[%arg0, %arg1, %dma_start3A_76] : memref<2x16x10112xf32, #tpu.memory_space<hbm>> -> memref<1x1x10112xf32, #tpu.memory_space<hbm>>
      %dma_start3A_78 = tpu.memref_squeeze %dma_start3A_77 : memref<1x1x10112xf32, #tpu.memory_space<hbm>> -> memref<10112xf32, #tpu.memory_space<hbm>>
      %dma_start3A_79 = arith.constant 0 : i32
      %dma_start3A_80 = tpu.memref_slice %arg9[%arg0, %arg1, %dma_start3A_79] : memref<2x16x10112xf32, #tpu.memory_space<hbm>> -> memref<1x1x10112xf32, #tpu.memory_space<hbm>>
      %dma_start3A_81 = tpu.memref_squeeze %dma_start3A_80 : memref<1x1x10112xf32, #tpu.memory_space<hbm>> -> memref<10112xf32, #tpu.memory_space<hbm>>
      tpu.enqueue_dma source(%arg21 : memref<10112xf32, #tpu.memory_space<vmem>>) target(%dma_start3A_81 : memref<10112xf32, #tpu.memory_space<hbm>>) target_semaphore(%run_scoped3A : memref<!tpu.dma_semaphore, #tpu.memory_space<semaphore_mem>>)
      %dma_wait3A_82 = arith.constant 0 : i32
      %dma_wait3A_83 = tpu.memref_slice %arg9[%arg0, %arg1, %dma_wait3A_82] : memref<2x16x10112xf32, #tpu.memory_space<hbm>> -> memref<1x1x10112xf32, #tpu.memory_space<hbm>>
      %dma_wait3A_84 = tpu.memref_squeeze %dma_wait3A_83 : memref<1x1x10112xf32, #tpu.memory_space<hbm>> -> memref<10112xf32, #tpu.memory_space<hbm>>
      %dma_wait3A_85 = arith.constant 0 : i32
      %dma_wait3A_86 = tpu.memref_slice %arg9[%arg0, %arg1, %dma_wait3A_85] : memref<2x16x10112xf32, #tpu.memory_space<hbm>> -> memref<1x1x10112xf32, #tpu.memory_space<hbm>>
      %dma_wait3A_87 = tpu.memref_squeeze %dma_wait3A_86 : memref<1x1x10112xf32, #tpu.memory_space<hbm>> -> memref<10112xf32, #tpu.memory_space<hbm>>
      tpu.wait_dma2 semaphore(%run_scoped3A : memref<!tpu.dma_semaphore, #tpu.memory_space<semaphore_mem>>) src(%arg21 : memref<10112xf32, #tpu.memory_space<vmem>>) dst(%dma_wait3A_87 : memref<10112xf32, #tpu.memory_space<hbm>>)
      tpu.yield
    }) : () -> ()
    return
  }
}

module attributes {stable_mosaic.version = 14 : i64} {
  func.func @_att_body(%arg0: i32, %arg1: memref<1000x128xf32, #tpu.memory_space<vmem>>, %arg2: memref<128x128xf32, #tpu.memory_space<vmem>>, %arg3: memref<1x128xf32, #tpu.memory_space<vmem>>, %arg4: memref<1000x128xf32, #tpu.memory_space<vmem>>) attributes {dimension_semantics = [#tpu.dimension_semantics<arbitrary>], iteration_bounds = array<i64: 10>, scalar_prefetch = 0 : i64, scratch_operands = 0 : i64, tpu.core_type = #tpu.core_type<tc>, window_params = [{transform_indices = @transform_0, window_bounds = array<i64: 1000, 128>}, {pipeline_mode = #tpu.pipeline_mode<synchronous>, transform_indices = @transform_1, window_bounds = array<i64: 128, 128>}, {pipeline_mode = #tpu.pipeline_mode<synchronous>, transform_indices = @transform_2, window_bounds = array<i64: 1, 128>}, {transform_indices = @transform_3, window_bounds = array<i64: 1000, 128>}]} {
    %get3A = arith.constant 0 : index
    %get3A_0 = arith.constant 0 : index
    %get3A_1 = vector.load %arg1[%get3A, %get3A_0] : memref<1000x128xf32, #tpu.memory_space<vmem>>, vector<1000x128xf32>
    %get3A_2 = arith.constant 0 : index
    %get3A_3 = arith.constant 0 : index
    %get3A_4 = vector.load %arg2[%get3A_2, %get3A_3] : memref<128x128xf32, #tpu.memory_space<vmem>>, vector<128x128xf32>
    %dot_general3A = arith.constant dense<0.000000e+00> : vector<1000x128xf32>
    %dot_general3A_5 = tpu.matmul %get3A_1, %get3A_4, %dot_general3A {dimension_numbers = #tpu.dot_dimension_numbers<[1], [0], [0], [1], [0, 0, 1, 1], [], []>, transpose_lhs_hint = false} : vector<1000x128xf32>, vector<128x128xf32>, vector<1000x128xf32> -> vector<1000x128xf32>
    %get3A_6 = arith.constant 0 : index
    %get3A_7 = arith.constant 0 : index
    %get3A_8 = vector.load %arg3[%get3A_6, %get3A_7] : memref<1x128xf32, #tpu.memory_space<vmem>>, vector<1x128xf32>
    %add3A = vector.broadcast %get3A_8 : vector<1x128xf32> to vector<1000x128xf32>
    %add3A_9 = arith.addf %dot_general3A_5, %add3A : vector<1000x128xf32>
    %swap3A = arith.constant 0 : index
    %swap3A_10 = arith.constant 0 : index
    %swap3A_11 = vector.load %arg4[%swap3A, %swap3A_10] : memref<1000x128xf32, #tpu.memory_space<vmem>>, vector<1000x128xf32>
    tpu.vector_store %arg4[%swap3A, %swap3A_10], %add3A_9 {strides = array<i32>} : memref<1000x128xf32, #tpu.memory_space<vmem>>, vector<1000x128xf32>,
    return
  }
  func.func @transform_0(%arg0: i32) -> (i32, i32) {
    %c0_i32 = arith.constant 0 : i32
    %c0_i32_0 = arith.constant 0 : i32
    return %arg0, %c0_i32 : i32, i32
  }
  func.func @transform_1(%arg0: i32) -> (i32, i32) {
    %c0_i32 = arith.constant 0 : i32
    %c0_i32_0 = arith.constant 0 : i32
    %c0_i32_1 = arith.constant 0 : i32
    return %c0_i32, %c0_i32_0 : i32, i32
  }
  func.func @transform_2(%arg0: i32) -> (i32, i32) {
    %c0_i32 = arith.constant 0 : i32
    %c0_i32_0 = arith.constant 0 : i32
    %c0_i32_1 = arith.constant 0 : i32
    return %c0_i32, %c0_i32_0 : i32, i32
  }
  func.func @transform_3(%arg0: i32) -> (i32, i32) {
    %c0_i32 = arith.constant 0 : i32
    %c0_i32_0 = arith.constant 0 : i32
    return %arg0, %c0_i32 : i32, i32
  }
}

module attributes {stable_mosaic.version = 14 : i64} {
  func.func @_out_body(%arg0: i32, %arg1: memref<2x128x128xf32, #tpu.memory_space<vmem>>, %arg2: memref<2x16x128xf32, #tpu.memory_space<vmem>>, %arg3: memref<128x128xf32, #tpu.memory_space<vmem>>, %arg4: memref<128x1xf32, #tpu.memory_space<vmem>>, %arg5: memref<128x128xf32, #tpu.memory_space<vmem>>, %arg6: memref<128x128xf32, #tpu.memory_space<vmem>>, %arg7: memref<128x128xf32, #tpu.memory_space<vmem>>, %arg8: memref<128x128xf32, #tpu.memory_space<vmem>>) attributes {dimension_semantics = [#tpu.dimension_semantics<arbitrary>], iteration_bounds = array<i64: 79>, scalar_prefetch = 0 : i64, scratch_operands = 0 : i64, tpu.core_type = #tpu.core_type<tc>, window_params = [{transform_indices = @transform_0, window_bounds = array<i64: 2, 128, 128>}, {transform_indices = @transform_1, window_bounds = array<i64: 2, 16, 128>}, {transform_indices = @transform_2, window_bounds = array<i64: 128, 128>}, {transform_indices = @transform_3, window_bounds = array<i64: 128, 1>}, {pipeline_mode = #tpu.pipeline_mode<synchronous>, transform_indices = @transform_4, window_bounds = array<i64: 128, 128>}, {pipeline_mode = #tpu.pipeline_mode<synchronous>, transform_indices = @transform_5, window_bounds = array<i64: 128, 128>}, {pipeline_mode = #tpu.pipeline_mode<synchronous>, transform_indices = @transform_6, window_bounds = array<i64: 128, 128>}, {transform_indices = @transform_7, window_bounds = array<i64: 128, 128>}]} {
    %get3A = arith.constant 0 : index
    %get3A_0 = arith.constant 0 : index
    %get3A_1 = arith.constant 0 : index
    %get3A_2 = vector.load %arg1[%get3A, %get3A_0, %get3A_1] : memref<2x128x128xf32, #tpu.memory_space<vmem>>, vector<1x128x128xf32>
    %get3A_3 = vector.shape_cast %get3A_2 : vector<1x128x128xf32> to vector<128x128xf32>
    %get3A_4 = arith.constant 1 : index
    %get3A_5 = arith.constant 0 : index
    %get3A_6 = arith.constant 0 : index
    %get3A_7 = vector.load %arg1[%get3A_4, %get3A_5, %get3A_6] : memref<2x128x128xf32, #tpu.memory_space<vmem>>, vector<1x128x128xf32>
    %get3A_8 = vector.shape_cast %get3A_7 : vector<1x128x128xf32> to vector<128x128xf32>
    %add3A = arith.addf %get3A_3, %get3A_8 : vector<128x128xf32>
    %get3A_9 = arith.constant 0 : index
    %get3A_10 = arith.constant 0 : index
    %get3A_11 = arith.constant 0 : index
    %get3A_12 = vector.load %arg2[%get3A_9, %get3A_10, %get3A_11] : memref<2x16x128xf32, #tpu.memory_space<vmem>>, vector<2x16x128xf32>
    %reduce_sum3A = arith.constant dense<0.000000e+00> : vector<128xf32>
    %reduce_sum3A_13 = vector.multi_reduction <add>, %get3A_12, %reduce_sum3A [0, 1] : vector<2x16x128xf32> to vector<128xf32>
    %broadcast_in_dim3A = vector.shape_cast %reduce_sum3A_13 : vector<128xf32> to vector<128x1xf32>
    %get3A_14 = arith.constant 0 : index
    %get3A_15 = arith.constant 0 : index
    %get3A_16 = vector.load %arg5[%get3A_14, %get3A_15] : memref<128x128xf32, #tpu.memory_space<vmem>>, vector<128x128xf32>
    %dot_general3A = arith.constant dense<0.000000e+00> : vector<128x128xf32>
    %dot_general3A_17 = tpu.matmul %add3A, %get3A_16, %dot_general3A {dimension_numbers = #tpu.dot_dimension_numbers<[1], [0], [0], [1], [0, 0, 1, 1], [], []>, transpose_lhs_hint = false} : vector<128x128xf32>, vector<128x128xf32>, vector<128x128xf32> -> vector<128x128xf32>
    %get3A_18 = arith.constant 0 : index
    %get3A_19 = arith.constant 0 : index
    %get3A_20 = vector.load %arg3[%get3A_18, %get3A_19] : memref<128x128xf32, #tpu.memory_space<vmem>>, vector<128x128xf32>
    %gt3A = arith.constant 0.000000e+00 : f32
    %gt3A_21 = vector.broadcast %gt3A : f32 to vector<128x1xf32>
    %gt3A_22 = arith.cmpf ogt, %broadcast_in_dim3A, %gt3A_21 : vector<128x1xf32>
    %get3A_23 = arith.constant 0 : index
    %get3A_24 = arith.constant 0 : index
    %get3A_25 = vector.load %arg6[%get3A_23, %get3A_24] : memref<128x128xf32, #tpu.memory_space<vmem>>, vector<128x128xf32>
    %dot_general3A_26 = arith.constant dense<0.000000e+00> : vector<128x128xf32>
    %dot_general3A_27 = tpu.matmul %get3A_20, %get3A_25, %dot_general3A_26 {dimension_numbers = #tpu.dot_dimension_numbers<[1], [0], [0], [1], [0, 0, 1, 1], [], []>, transpose_lhs_hint = false} : vector<128x128xf32>, vector<128x128xf32>, vector<128x128xf32> -> vector<128x128xf32>
    %get3A_28 = arith.constant 0 : index
    %get3A_29 = arith.constant 0 : index
    %get3A_30 = vector.load %arg7[%get3A_28, %get3A_29] : memref<128x128xf32, #tpu.memory_space<vmem>>, vector<128x128xf32>
    %dot_general3A_31 = arith.constant dense<0.000000e+00> : vector<128x128xf32>
    %dot_general3A_32 = tpu.matmul %get3A_20, %get3A_30, %dot_general3A_31 {dimension_numbers = #tpu.dot_dimension_numbers<[1], [0], [0], [1], [0, 0, 1, 1], [], []>, transpose_lhs_hint = false} : vector<128x128xf32>, vector<128x128xf32>, vector<128x128xf32> -> vector<128x128xf32>
    %broadcast_in_dim3A_33 = vector.shape_cast %gt3A_22 : vector<128x1xi1> to vector<128x1xi1>
    %broadcast_in_dim3A_34 = vector.broadcast %broadcast_in_dim3A_33 : vector<128x1xi1> to vector<128x128xi1>
    %select_n3A = arith.select %broadcast_in_dim3A_34, %dot_general3A_27, %dot_general3A_32 : vector<128x128xi1>, vector<128x128xf32>
    %get3A_35 = arith.constant 0 : index
    %get3A_36 = arith.constant 0 : index
    %get3A_37 = vector.load %arg4[%get3A_35, %get3A_36] : memref<128x1xf32, #tpu.memory_space<vmem>>, vector<128x1xf32>
    %mul3A = vector.broadcast %get3A_37 : vector<128x1xf32> to vector<128x128xf32>
    %mul3A_38 = arith.mulf %dot_general3A_17, %mul3A : vector<128x128xf32>
    %add3A_39 = arith.addf %mul3A_38, %select_n3A : vector<128x128xf32>
    %tanh3A = math.tanh %add3A_39 : vector<128x128xf32>
    %swap3A = arith.constant 0 : index
    %swap3A_40 = arith.constant 0 : index
    %swap3A_41 = vector.load %arg8[%swap3A, %swap3A_40] : memref<128x128xf32, #tpu.memory_space<vmem>>, vector<128x128xf32>
    tpu.vector_store %arg8[%swap3A, %swap3A_40], %tanh3A {strides = array<i32>} : memref<128x128xf32, #tpu.memory_space<vmem>>, vector<128x128xf32>,
    return
  }
  func.func @transform_0(%arg0: i32) -> (i32, i32, i32) {
    %c0_i32 = arith.constant 0 : i32
    %c0_i32_0 = arith.constant 0 : i32
    %c0_i32_1 = arith.constant 0 : i32
    return %c0_i32, %arg0, %c0_i32_0 : i32, i32, i32
  }
  func.func @transform_1(%arg0: i32) -> (i32, i32, i32) {
    %c0_i32 = arith.constant 0 : i32
    %c0_i32_0 = arith.constant 0 : i32
    %c0_i32_1 = arith.constant 0 : i32
    return %c0_i32, %c0_i32_0, %arg0 : i32, i32, i32
  }
  func.func @transform_2(%arg0: i32) -> (i32, i32) {
    %c0_i32 = arith.constant 0 : i32
    %c0_i32_0 = arith.constant 0 : i32
    return %arg0, %c0_i32 : i32, i32
  }
  func.func @transform_3(%arg0: i32) -> (i32, i32) {
    %c0_i32 = arith.constant 0 : i32
    %c0_i32_0 = arith.constant 0 : i32
    return %arg0, %c0_i32 : i32, i32
  }
  func.func @transform_4(%arg0: i32) -> (i32, i32) {
    %c0_i32 = arith.constant 0 : i32
    %c0_i32_0 = arith.constant 0 : i32
    %c0_i32_1 = arith.constant 0 : i32
    return %c0_i32, %c0_i32_0 : i32, i32
  }
  func.func @transform_5(%arg0: i32) -> (i32, i32) {
    %c0_i32 = arith.constant 0 : i32
    %c0_i32_0 = arith.constant 0 : i32
    %c0_i32_1 = arith.constant 0 : i32
    return %c0_i32, %c0_i32_0 : i32, i32
  }
  func.func @transform_6(%arg0: i32) -> (i32, i32) {
    %c0_i32 = arith.constant 0 : i32
    %c0_i32_0 = arith.constant 0 : i32
    %c0_i32_1 = arith.constant 0 : i32
    return %c0_i32, %c0_i32_0 : i32, i32
  }
  func.func @transform_7(%arg0: i32) -> (i32, i32) {
    %c0_i32 = arith.constant 0 : i32
    %c0_i32_0 = arith.constant 0 : i32
    return %arg0, %c0_i32 : i32, i32
  }
}

</mosaic_0001>

<sc_bundles>
// kernel: gather_offload_async_start
scs
__scs_entry_jumppad:
0x0: {  	(pc) =	sbr.rel $0x88, $3  }
0x1: {  	(tag) =	ssettag $0x0;
	lr =	simm.s32 $0x1  }
0x2: {  	[smem:$0x3F98] =	sst lr;
	_ =	strace $0xD0000000  }
0x3: {  	_ = 	snop  }
0x4: {  	_ = 	snop  }
0x5: {  	_ = 	snop  }
0x6: {  	_ = 	snop  }
0x7: {  	_ = 	snop  }
__scs_overlays_trampoline_lowered:
0x8: {  	[smem:$0x3FA7] =	sst s0  }
0x9: {  	[smem:$0x3FA8] =	sst s1  }
0xa: {  	[smem:$0x3FA9] =	sst s2  }
0xb: {  	[smem:$0x3FAA] =	sst s3  }
0xc: {  	[smem:$0x3FAB] =	sst s4  }
0xd: {  	[smem:$0x3FAC] =	sst s5  }
0xe: {  	[smem:$0x3FAD] =	sst s6  }
0xf: {  	[smem:$0x3FAE] =	sst s7  }
0x10: {  	[smem:$0x3FAF] =	sst s8  }
0x11: {  	[smem:$0x3FB0] =	sst s9;
	s0 =	simm.s32 @!p0 $0x0  }
0x12: {  	s1 =	sld [smem:$0x3F96];
	s0 =	simm.s32 @p0 $0x1  }
0x13: {  	[smem:$0x3FB1] =	sst s0;
	s0 =	simm.s32 @!p1 $0x0  }
0x14: {  	s2 =	sld [smem:$0x3F95];
	s0 =	simm.s32 @p1 $0x1  }
0x15: {  	[smem:$0x3FB2] =	sst s0;
	s0 =	simm.s32 @!p2 $0x0  }
0x16: {  	s3 =	sld [smem:$0x3FDB];
	s0 =	simm.s32 @p2 $0x1  }
0x17: {  	s4 =	simm.s32 $0x1BF5;
	[smem:$0x3FB4] =	sst s0  }
0x18: {  	s0 =	sld [smem:$0x3F97];
	_ =	swait.ge [sflag:s4], $0x0  }
0x19: {  	s7 =	sld [smem:$0x3F98]  }
0x1a: {  	s8 =	sadd.s32 $0xFFFFE003, lr  }
0x1b: {  	s9 =	sadd.s32 $0xFFFFFEF7, lr;
	s5 =	simm.s32 $0xFFFFFFFF;
	p2 =	slt.u32 s8, $0xFFFFF086  }
0x1c: {  	p1 =	slt.u32 s9, $0xF7A;
	s5 =	simm.s32 @!p2 $0x0  }
0x1d: {  	s5 =	simm.s32 @p1 $0x1;
	p0 =	seq.s32 s7, s2  }
0x1e: {  	s7 =	smul.u32 @!p0 $0xF7A, s2;
	p2 =	seq.s32 @!p0 s5, $0x0  }
0x1f: {  	s9 =	smul.u32 $0xF7A, s1;
	s8 =	simm.s32 @!p0 $0x1BF5;
	p2 =	por !p2, p0  }
0x20: {  	[sflag:s8] =	ssyncset.s32 @!p0 $0xFFFFF086;
	s6 =	sadd.s32 @!p0 s3, s7;
	s7 =	simm.s32 @!p0 $0x108  }
0x21: {  	s3 =	sadd.s32 s3, s9;
	s6 =	sadd.s32 @!p0 $0x88, s6;
	s7 =	simm.s32 @p2 $0x1082  }
0x22: {  	[simem:s7], [sflag:s8] =	dma.local @!p0 [hbm:s6], $0xF7A  }
0x23: {  	s9 =	sor.u32 $0xD0000000, s2;
	s6 =	simm.s32 $0x108;
	_ =	swait.ge @!p0 [sflag:s8], $0x0  }
0x24: {  	s3 =	sadd.s32 $0x88, s3;
	s6 =	simm.s32 @!p1 $0x1082;
	[sflag:s4] =	ssyncset.s32 $0xFFFFF086  }
0x25: {  	[simem:s6], [sflag:s4] =	dma.local [hbm:s3], $0xF7A  }
0x26: {  	[smem:$0x3F98] =	sst s1;
	(tag) =	ssettag s2;
	_ =	strace s9  }
0x27: {  	s1 =	sld [smem:$0x3FA8]  }
0x28: {  	s2 =	sld [smem:$0x3FA9]  }
0x29: {  	s4 =	sld [smem:$0x3FAB]  }
0x2a: {  	p0 =	seq.s32 s5, $0x0;
	s5 =	sld [smem:$0x3FAC]  }
0x2b: {  	s6 =	sld [smem:$0x3FAD]  }
0x2c: {  	s7 =	sld [smem:$0x3FAE]  }
0x2d: {  	s3 =	simm.s32 $0x108;
	s8 =	sld [smem:$0x3FAF]  }
0x2e: {  	s3 =	simm.s32 @!p0 $0x1082;
	s9 =	sld [smem:$0x3FB0]  }
0x2f: {  	lr =	sadd.s32 s0, s3;
	s0 =	sld [smem:$0x3FA7]  }
0x30: {  	s3 =	sld [smem:$0x3FAA]  }
0x31: {  	[smem:$0x3FB3] =	sst s10  }
0x32: {  	s10 =	sld [smem:$0x3FB1];
	_ =	sdelay $0x3  }
0x33: {  	p0 =	seq.s32 s10, $0x1;
	s10 =	sld [smem:$0x3FB3];
	_ =	sdelay $0x3  }
0x34: {  	[smem:$0x3FB3] =	sst s10  }
0x35: {  	s10 =	sld [smem:$0x3FB2];
	_ =	sdelay $0x3  }
0x36: {  	p1 =	seq.s32 s10, $0x1;
	s10 =	sld [smem:$0x3FB3];
	_ =	sdelay $0x3  }
0x37: {  	[smem:$0x3FB3] =	sst s10  }
0x38: {  	s10 =	sld [smem:$0x3FB4]  }
0x39: {  	_ = 	snop;
	(pc) =	sbr.ind lr, $3  }
0x3a: {  	_ = 	snop  }
0x3b: {  	_ = 	snop  }
0x3c: {  	p2 =	seq.s32 s10, $0x1;
	s10 =	sld [smem:$0x3FB3]  }
0x3d: {  	_ =	shalt  }
0x3e: {  	_ =	shalt  }
0x3f: {  	_ =	shalt  }
0x40: {  	_ =	shalt  }
0x41: {  	_ =	shalt  }
0x42: {  	_ =	shalt  }
0x43: {  	_ =	shalt  }
0x44: {  	_ =	shalt  }
0x45: {  	_ =	shalt  }
0x46: {  	_ =	shalt  }
0x47: {  	_ =	shalt  }
0x48: {  	_ =	shalt  }
0x49: {  	_ =	shalt  }
0x4a: {  	_ =	shalt  }
0x4b: {  	_ =	shalt  }
0x4c: {  	_ =	shalt  }
0x4d: {  	_ =	shalt  }
0x4e: {  	_ =	shalt  }
0x4f: {  	_ =	shalt  }
0x50: {  	_ =	shalt  }
0x51: {  	_ =	shalt  }
0x52: {  	_ =	shalt  }
0x53: {  	_ =	shalt  }
0x54: {  	_ =	shalt  }
0x55: {  	_ =	shalt  }
0x56: {  	_ =	shalt  }
0x57: {  	_ =	shalt  }
0x58: {  	_ =	shalt  }
0x59: {  	_ =	shalt  }
0x5a: {  	_ =	shalt  }
0x5b: {  	_ =	shalt  }
0x5c: {  	_ =	shalt  }
0x5d: {  	_ =	shalt  }
0x5e: {  	_ =	shalt  }
0x5f: {  	_ =	shalt  }
0x60: {  	_ =	shalt  }
0x61: {  	_ =	shalt  }
0x62: {  	_ =	shalt  }
0x63: {  	_ =	shalt  }
0x64: {  	_ =	shalt  }
0x65: {  	_ =	shalt  }
0x66: {  	_ =	shalt  }
0x67: {  	_ =	shalt  }
0x68: {  	_ =	shalt  }
0x69: {  	_ =	shalt  }
0x6a: {  	_ =	shalt  }
0x6b: {  	_ =	shalt  }
0x6c: {  	_ =	shalt  }
0x6d: {  	_ =	shalt  }
0x6e: {  	_ =	shalt  }
0x6f: {  	_ =	shalt  }
0x70: {  	_ =	shalt  }
0x71: {  	_ =	shalt  }
0x72: {  	_ =	shalt  }
0x73: {  	_ =	shalt  }
0x74: {  	_ =	shalt  }
0x75: {  	_ =	shalt  }
0x76: {  	_ =	shalt  }
0x77: {  	_ =	shalt  }
0x78: {  	_ =	shalt  }
0x79: {  	_ =	shalt  }
0x7a: {  	_ =	shalt  }
0x7b: {  	_ =	shalt  }
0x7c: {  	_ =	shalt  }
0x7d: {  	_ =	shalt  }
0x7e: {  	_ =	shalt  }
0x7f: {  	_ =	shalt  }
0x80: {  	_ =	shalt  }
0x81: {  	_ =	shalt  }
0x82: {  	_ =	shalt  }
0x83: {  	_ =	shalt  }
0x84: {  	_ =	shalt  }
0x85: {  	_ =	shalt  }
0x86: {  	_ =	shalt  }
0x87: {  	_ =	shalt  }
.Lfunc_end0:
.L_simem_size_0:
called_computation_lowered:
.L_overlay_start_0:
0x88: {  	s2 =	sld [smem:$0x3FD9]  }
0x89: {  	s3 =	sld [smem:$0x3FFE];
	_ =	sdelay $0x1  }
0x8a: {  	s1 =	srdreg.scid  }
0x8b: {  	s0 =	sand.u32 $0x1, s1  }
0x8c: {  	s16 =	sshll.u32 s0, $0xA;
	s2 =	sadd.s32 s3, s2  }
0x8d: {  	s2 =	sadd.s32 s2, s16  }
0x8e: {  	[smem:$0x3FBF] =	sst s2  }
0x8f: {  	_ = 	snop  }
0x90: {  	(tm) =	ssettm $0x1  }
0x91: {  	s17 =	sld [smem:$0x3FFB];
	_ =	sdelay $0x3  }
0x92: {  	_ =	strace s17  }
0x93: {  	s2 =	sld [smem:$0x3FFC];
	_ =	sdelay $0x3  }
0x94: {  	_ =	strace s2  }
0x95: {  	s2 =	sld [smem:$0x3FFD];
	_ =	sdelay $0x3  }
0x96: {  	_ =	strace s2  }
0x97: {  	_ =	strace $0x8FFFFFFF  }
0x98: {  	s18 =	sld [smem:$0x3FDB];
	_ =	sdelay $0x1  }
0x99: {  	s19 =	simm.s32 $_scs_section_size  }
0x9a: {  	s4 =	simm.s32 $_size__tile_overlayer_lowered;
	s5 =	simm.s32 $_tile_overlayer_lowered  }
0x9b: {  	s22 =	simm.s32 $0x1BFF;
	s21 =	sshll.u32 s5, $0x1;
	s2 =	sadd.s32 s19, s18  }
0x9c: {  	s6 =	simm.s32 $0x0;
	s20 =	sshll.u32 s4, $0x1;
	s4 =	sadd.s32 s21, s2  }
0x9d: {  	[timem:s6], [sflag:s22] =	dma.local [hbm:s4], s20  }
0x9e: {  	_ =	swait.ge [sflag:s22], s20  }
0x9f: {  	s3 =	ssub.s32 $0x0, s20;
	[sflag:s22] =	ssyncset.done $0x0  }
0xa0: {  	[sflag:s22] =	ssyncadd.s32 s3;
	_ =	sdelay $0x1  }
0xa1: {  	s23 =	simm.s32 $0x1B8B  }
0xa2: {  	_ =	swait.ge [sflag:s23], $0x1  }
0xa3: {  	[sflag:s23] =	ssyncset.done $0x0  }
0xa4: {  	s25 =	simm.s32 $0x1B8E;
	s24 =	sld [smem:$0x3FFE];
	[sflag:s23] =	ssyncadd.s32 $0xFFFFFFFF  }
0xa5: {  	s26 =	simm.s32 $execute0_lowered;
	[smem:$0x3FD2] =	sst s25  }
0xa6: {  	s4 =	sshll.u32 s26, $0x1;
	_ =	strace $0x80000046;
	[dreg:$0x1] =	wrdreg $0xFFFFFFFF  }
0xa7: {  	s28 =	simm.s32 $_size_execute0_lowered;
	s2 =	sadd.s32 s2, s4;
	[dreg:$0x0] =	wrdreg $0x0  }
0xa8: {  	s4 =	sshll.u32 s28, $0x1;
	[dreg:$0x2] =	wrdreg s2  }
0xa9: {  	[dreg:$0x3] =	wrdreg s4  }
0xaa: {  	[dreg:$0x4] =	wrdreg $0xC0  }
0xab: {  	_ =	task [dreg:s6], $0x5FFFF  }
0xac: {  	[dreg:$0x1] =	wrdreg $0xFFFFFFFF  }
0xad: {  	[dreg:$0x0] =	wrdreg $0x60  }
0xae: {  	[dreg:$0x2] =	wrdreg s24  }
0xaf: {  	[dreg:$0x3] =	wrdreg $0x9  }
0xb0: {  	_ =	task.clear_ibuf [dreg:s6], $0x4FFFF;
	_ =	strace $0x90000046  }
0xb1: {  	s29 =	simm.s32 $0x9;
	_ =	strace $0x80000048  }
0xb2: {  	_ =	swait.ge [sflag:s29], $0x1  }
0xb3: {  	[sflag:s29] =	ssyncadd.s32 $0xFFFFFFFF  }
0xb4: {  	_ =	strace $0x90000048  }
0xb5: {  	_ =	sfence  }
0xb6: {  	s30 =	sld [smem:$0x0];
	_ =	sdelay $0x2  }
0xb7: {  	s31 =	sshll.u32 s1, $0xD;
	s1 =	sshrl.u32 s1, $0x2  }
0xb8: {  	s3 =	sand.u32 $0x4000, s31;
	s1 =	sadd.s32 s1, s30  }
0xb9: {  	s0 =	sor.u32 s3, s0;
	s1 =	sshll.u32 s1, $0x11  }
0xba: {  	s0 =	sor.u32 s1, s0  }
0xbb: {  	s0 =	sadd.s32 $0x8F2B, s0  }
0xbc: {  	[sflag:s0] =	ssyncadd.remote.s32 $0x1  }
0xbd: {  	_ =	sfence.sel $0xFFFF  }
0xbe: {  	[dreg:$0x0] =	wrdreg $0xFFFFFFFF;
	(pc) =	sbr.abs _section_cstart, $3  }
0xbf: {  	[dreg:$0x1] =	wrdreg $0xFFFFFFFF  }
0xc0: {  	_ =	task.clear_ibuf [dreg:s6], $0x2FFFF;
	_ =	strace $0x9FFFFFFF  }
0xc1: {  	(tm) =	ssettm $0x7FFFFFFF  }
tec
execute0_lowered:
.L_overlay_start_1:
0x0: {  	(tag) =	ssettag $0x1  }
0x1: {  	s8 =	rddreg [dreg:$0x0]  }
0x2: {  	s0 =	rddreg [dreg:$0x1];
	_ =	strace $0x80000047;
	s1 =	stileid.u32  }
0x3: {  	s3 =	srdreg.scid;
	s4 =	simm.s32 $0x1;
	s7 =	simm.s32 $0x1  }
0x4: {  	s9 =	simm.s32 $0x1;
	s10 =	simm.s32 $0x3;
	s13 =	simm.s32 $0x0  }
0x5: {  	s12 =	simm.s32 $0x0;
	s5 =	sand.u32 $0x1, s3;
	s6 =	sshll.u32 s1, $0x1  }
0x6: {  	s2 =	sadd.s32 $0x14200, s8;
	s3 =	sadd.s32 $0x600, s8;
	s5 =	sor.u32 s6, s5  }
.Ltmp0:
0x7: {  	[sflag:s4] =	ssyncpa.u1 $0x0;
	p0 =	slt.u32 s5, $0x9;
	(pc) =	sbr.rel .LBB2_1-.Ltmp0, $4  }
0x8: {  	s6 =	simm.s32 $0x2;
	s7 =	simm.s32 @!p0 $0x0;
	p0 =	sne.s32 s5, $0x8  }
0x9: {  	[sflag:s6] =	ssyncpa.u1 $0x0;
	s5 =	smul.u32 $0x1F40, s5;
	s9 =	simm.s32 @!p0 $0x0  }
0xa: {  	s8 =	sadd.s32 $0x1E000, s8;
	[sflag:s10] =	ssyncpa.u1 $0x0;
	s7 =	sadd.s32 s9, s7  }
0xb: {  	vm0 =	vmmov $0xffff;
	s10 =	simm.s32 $0x0;
	s11 =	smov.u32 s5;
	s9 =	sadd.s32 $0x1, s7  }
.LBB2_4:
0xc: {  	v2 =	vnsel vm1, $0x0, v2  }
0xd: {  	vm1 =	vgt.s32 v0, $0x0;
	v2 =	vmin.u32 v2, $0x4E1FF  }
0xe: {  	v0 =	vnsel vm1, $0x0, v0  }
0xf: {  	v0 =	vmin.u32 v0, $0x4E1FF  }
0x10: {  	[tilespmem:s18], [sflag:$0x1] =	stream.indirect_vreg.gather [hbm4b:s2+s10], $0x1, v1, vm0, $0x4038;
	[tilespmem:$0x7D00] =	vst v63  }
0x11: {  	(ifvalue) =	ssetifvalue $0x7FFFFFFF  }
0x12: {  	[tilespmem:s15], [sflag:$0x1] =	stream.indirect_vreg.gather [hbm4b:s2+s10], $0x1, v2, vm0, $0x4038;
	[tilespmem:$0x7D00] =	vst v63  }
0x13: {  	s29 =	sadd.s32 $0x10, s15;
	(ifvalue) =	ssetifvalue $0x7FFFFFFF  }
0x14: {  	[tilespmem:s29], [sflag:$0x1] =	stream.indirect_vreg.gather [hbm4b:s2+s10], $0x1, v0, vm0, $0x4038;
	[tilespmem:$0x7D00] =	vst v63  }
0x15: {  	_ =	swait.ge [sflag:s4], $0x1F40  }
0x16: {  	s30 =	sshrl.u32 s13, $0x3;
	[sflag:s4] =	ssyncset.done $0x0  }
0x17: {  	s31 =	sand.u32 $0x7, s13;
	s15 =	sadd.s32 s8, s30;
	[sflag:s4] =	ssyncadd.s32 $0xFFFFE0C0  }
0x18: {  	[hbm4b:s15+s31] =	stream.linear.scatter [tilespmem:s14], [sflag:$0x3], $0x1F40, $0x38;
	[tilespmem:$0x7D00] =	vst v63  }
.LBB2_5:
0x19: {  	s15 =	sadd.s32 $0x3E800, s11  }
0x1a: {  	p1 =	sgt.s32 s15, $0x4E1FF  }
0x1b: {  	s15 =	smov.u32 @p1 s5;
	p1 =	sne.s32 s12, s9  }
.Ltmp1:
0x1c: {  	p0 =	slt.u32 s12, $0x2;
	(pc) =	sbr.rel @!p1 .LBB2_6-.Ltmp1, $4  }
0x1d: {  	s14 =	simm.s32 @!p0 $0x3  }
0x1e: {  	_ =	swait.ge @!p0 [sflag:s14], $0x1F40  }
0x1f: {  	s16 =	sadd.s32 $0x1, s12;
	s13 =	smov.u32 s11;
	[sflag:s14] =	ssyncset.done @!p0 $0x0  }
0x20: {  	s12 =	smov.u32 s16;
	s11 =	smov.u32 s15;
	[sflag:s14] =	ssyncadd.s32 @!p0 $0xFFFFE0C0  }
.LBB2_1:
0x21: {  	p0 =	sge.u32 s12, s7  }
0x22: {  	s14 =	sxor.u32 @!p0 $0x1, s12  }
0x23: {  	s14 =	smul.u32 @!p0 $0x7D00, s14  }
0x24: {  	s31 =	sadd.s32 $0xFFFFFFFF, s12;
	s15 =	sshrl.u32 @!p0 s11, $0x3  }
0x25: {  	s16 =	sand.u32 @!p0 $0x7, s11;
	s15 =	sadd.s32 @!p0 s3, s15;
	s14 =	sshra.s32 @!p0 s14, $0x2  }
0x26: {  	[tilespmem:s14], [sflag:$0x2] =	stream.linear.gather @!p0 [hbm4b:s15+s16], $0x1F40, $0x38;
	[tilespmem:$0x7D00] =	vst v63  }
0x27: {  	p0 =	sge.u32 s31, s7  }
.Ltmp2:
0x28: {  	_ = 	snop;
	(pc) =	sbr.rel @p0 .LBB2_5-.Ltmp2, $1  }
0x29: {  	_ =	sdelay $0x3  }
0x2a: {  	s14 =	sand.u32 $0x1, s12  }
0x2b: {  	_ =	swait.ge [sflag:s6], $0x1F40;
	p0 =	seq.s32 s14, $0x1;
	s14 =	simm.s32 $0x1F40  }
0x2c: {  	[sflag:s6] =	ssyncset.done $0x0;
	s14 =	simm.s32 @!p0 $0x0  }
0x2d: {  	[sflag:s6] =	ssyncadd.s32 $0xFFFFE0C0;
	(ifvalue) =	ssetifvalue $0x7FFFFFFF;
	v0 =	vld.msk [tilespmem:s14+$0x0 ss:$0x1], $0xffff;
	_ =	sdelay $0x4  }
0x2e: {  	s15 =	sadd.s32 $0x10, s14;
	vm1 =	vgt.s32 v0, $0x0  }
0x2f: {  	v2 =	vld.msk [tilespmem:s15+$0x0 ss:$0x1], $0xffff;
	v1 =	vnsel vm1, $0x0, v0  }
0x30: {  	v1 =	vmin.u32 v1, $0x4E1FF;
	_ =	sdelay $0x2  }
0x31: {  	s17 =	simm.s32 $0x20;
	s14 =	sadd.s32 $0x3E80, s14;
	s16 =	sadd.s32 $0x10, s15  }
0x32: {  	s15 =	sadd.s32 $0x10, s14;
	s18 =	smov.u32 s14;
	v0 =	vld.msk [tilespmem:s16+$0x0 ss:$0x1], $0xffff;
	vm1 =	vgt.s32 v2, $0x0;
	(ifvalue) =	ssetifvalue $0x7FFFFFFF  }
.LBB2_3:
0x33: {  	[tilespmem:s18], [sflag:$0x1] =	stream.indirect_vreg.gather [hbm4b:s2+s10], $0x1, v1, vm0, $0x4038;
	[tilespmem:$0x7D00] =	vst v63  }
0x34: {  	s17 =	sadd.s32 $0x10, s17  }
0x35: {  	v2 =	vnsel vm1, $0x0, v2;
	p0 =	slt.u32 s17, $0x1F30  }
.Ltmp3:
0x36: {  	s18 =	smov.u32 s15;
	v1 =	vmin.u32 v2, $0x4E1FF;
	(pc) =	sbr.rel @p0 .LBB2_3-.Ltmp3, $3  }
0x37: {  	_ =	sdelay $0x1  }
0x38: {  	s16 =	sadd.s32 $0x10, s16  }
0x39: {  	vm1 =	vgt.s32 v0, $0x0;
	s15 =	sadd.s32 $0x10, s15;
	v2 =	vmov v0;
	(ifvalue) =	ssetifvalue $0x7FFFFFFF;
	v0 =	vld.msk [tilespmem:s16+$0x0 ss:$0x1], $0xffff  }
.Ltmp4:
0x3a: {  	_ = 	snop;
	(pc) =	sbr.rel .LBB2_4-.Ltmp4, $1  }
0x3b: {  	_ =	sdelay $0x3  }
.LBB2_6:
0x3c: {  	_ =	sfence.sel $0x180000  }
0x3d: {  	s2 =	simm.s32 $0x2;
	[bflag:$0x0] =	sbarrier.arrive $0xFFFF  }
0x3e: {  	s30 =	simm.s32 $0x3;
	[sflag:s2] =	ssyncpa.u1 $0x1  }
0x3f: {  	s31 =	simm.s32 $0x1;
	[sflag:s30] =	ssyncpa.u1 $0x1  }
0x40: {  	[sflag:s31] =	ssyncpa.u1 $0x1  }
0x41: {  	p0 =	sne.s32 s1, $0x0;
	_ =	strace $0x90000047  }
0x42: {  	s0 =	sadd.s32 @!p0 $0x100000, s0;
	[bflag:$0x2] =	sbarrier.arrive $0xFFFF  }
0x43: {  	[sflag:s0] =	ssyncadd.tile.s32 @!p0 $0x1;
	_ =	shalt  }
.Lfunc_end2:
_tile_overlayer_lowered:
.L_overlay_start_2:
0x44: {  	(tag) =	ssettag $0x2  }
0x45: {  	s0 =	rddreg [dreg:$0x0];
	s2 =	stileid.u32  }
0x46: {  	s1 =	rddreg [dreg:$0x1];
	p0 =	sne.s32 s2, $0x0  }
0x47: {  	s3 =	rddreg [dreg:$0x2];
	[bflag:$0x3] =	sbarrier.arrive $0xFFFF;
	s2 =	simm.s32 @!p0 $0x1C01  }
0x48: {  	[timem:s3], [sflag:s2] =	dma.local @!p0 [hbm:s0], s1  }
0x49: {  	s0 =	simm.s32 @!p0 $0x1  }
0x4a: {  	_ =	swait.ge @!p0 [sflag:s0], s1  }
0x4b: {  	s1 =	ssub.s32 @!p0 $0x0, s1;
	[sflag:s0] =	ssyncset.done @!p0 $0x0  }
0x4c: {  	[sflag:s0] =	ssyncadd.s32 @!p0 s1  }
0x4d: {  	[bflag:$0x3] =	sbarrier.arrive $0xFFFF  }
0x4e: {  	_ =	shalt  }

// kernel: kernel.5.cloned.1.call-start
scs
__scs_entry_jumppad:
0x0: {  	(pc) =	sbr.rel $0x88, $3  }
0x1: {  	(tag) =	ssettag $0x0;
	lr =	simm.s32 $0x1  }
0x2: {  	[smem:$0x3F98] =	sst lr;
	_ =	strace $0xD0000000  }
0x3: {  	_ = 	snop  }
0x4: {  	_ = 	snop  }
0x5: {  	_ = 	snop  }
0x6: {  	_ = 	snop  }
0x7: {  	_ = 	snop  }
__scs_overlays_trampoline_lowered:
0x8: {  	[smem:$0x3FA7] =	sst s0  }
0x9: {  	[smem:$0x3FA8] =	sst s1  }
0xa: {  	[smem:$0x3FA9] =	sst s2  }
0xb: {  	[smem:$0x3FAA] =	sst s3  }
0xc: {  	[smem:$0x3FAB] =	sst s4  }
0xd: {  	[smem:$0x3FAC] =	sst s5  }
0xe: {  	[smem:$0x3FAD] =	sst s6  }
0xf: {  	[smem:$0x3FAE] =	sst s7  }
0x10: {  	[smem:$0x3FAF] =	sst s8  }
0x11: {  	[smem:$0x3FB0] =	sst s9;
	s0 =	simm.s32 @!p0 $0x0  }
0x12: {  	s1 =	sld [smem:$0x3F96];
	s0 =	simm.s32 @p0 $0x1  }
0x13: {  	[smem:$0x3FB1] =	sst s0;
	s0 =	simm.s32 @!p1 $0x0  }
0x14: {  	s2 =	sld [smem:$0x3F95];
	s0 =	simm.s32 @p1 $0x1  }
0x15: {  	[smem:$0x3FB2] =	sst s0;
	s0 =	simm.s32 @!p2 $0x0  }
0x16: {  	s3 =	sld [smem:$0x3FDB];
	s0 =	simm.s32 @p2 $0x1  }
0x17: {  	s4 =	simm.s32 $0x1BF5;
	[smem:$0x3FB4] =	sst s0  }
0x18: {  	s0 =	sld [smem:$0x3F97];
	_ =	swait.ge [sflag:s4], $0x0  }
0x19: {  	s7 =	sld [smem:$0x3F98]  }
0x1a: {  	s8 =	sadd.s32 $0xFFFFE003, lr  }
0x1b: {  	s9 =	sadd.s32 $0xFFFFFEF7, lr;
	s5 =	simm.s32 $0xFFFFFFFF;
	p2 =	slt.u32 s8, $0xFFFFF086  }
0x1c: {  	p1 =	slt.u32 s9, $0xF7A;
	s5 =	simm.s32 @!p2 $0x0  }
0x1d: {  	s5 =	simm.s32 @p1 $0x1;
	p0 =	seq.s32 s7, s2  }
0x1e: {  	s7 =	smul.u32 @!p0 $0xF7A, s2;
	p2 =	seq.s32 @!p0 s5, $0x0  }
0x1f: {  	s9 =	smul.u32 $0xF7A, s1;
	s8 =	simm.s32 @!p0 $0x1BF5;
	p2 =	por !p2, p0  }
0x20: {  	[sflag:s8] =	ssyncset.s32 @!p0 $0xFFFFF086;
	s6 =	sadd.s32 @!p0 s3, s7;
	s7 =	simm.s32 @!p0 $0x108  }
0x21: {  	s3 =	sadd.s32 s3, s9;
	s6 =	sadd.s32 @!p0 $0x88, s6;
	s7 =	simm.s32 @p2 $0x1082  }
0x22: {  	[simem:s7], [sflag:s8] =	dma.local @!p0 [hbm:s6], $0xF7A  }
0x23: {  	s9 =	sor.u32 $0xD0000000, s2;
	s6 =	simm.s32 $0x108;
	_ =	swait.ge @!p0 [sflag:s8], $0x0  }
0x24: {  	s3 =	sadd.s32 $0x88, s3;
	s6 =	simm.s32 @!p1 $0x1082;
	[sflag:s4] =	ssyncset.s32 $0xFFFFF086  }
0x25: {  	[simem:s6], [sflag:s4] =	dma.local [hbm:s3], $0xF7A  }
0x26: {  	[smem:$0x3F98] =	sst s1;
	(tag) =	ssettag s2;
	_ =	strace s9  }
0x27: {  	s1 =	sld [smem:$0x3FA8]  }
0x28: {  	s2 =	sld [smem:$0x3FA9]  }
0x29: {  	s4 =	sld [smem:$0x3FAB]  }
0x2a: {  	p0 =	seq.s32 s5, $0x0;
	s5 =	sld [smem:$0x3FAC]  }
0x2b: {  	s6 =	sld [smem:$0x3FAD]  }
0x2c: {  	s7 =	sld [smem:$0x3FAE]  }
0x2d: {  	s3 =	simm.s32 $0x108;
	s8 =	sld [smem:$0x3FAF]  }
0x2e: {  	s3 =	simm.s32 @!p0 $0x1082;
	s9 =	sld [smem:$0x3FB0]  }
0x2f: {  	lr =	sadd.s32 s0, s3;
	s0 =	sld [smem:$0x3FA7]  }
0x30: {  	s3 =	sld [smem:$0x3FAA]  }
0x31: {  	[smem:$0x3FB3] =	sst s10  }
0x32: {  	s10 =	sld [smem:$0x3FB1];
	_ =	sdelay $0x3  }
0x33: {  	p0 =	seq.s32 s10, $0x1;
	s10 =	sld [smem:$0x3FB3];
	_ =	sdelay $0x3  }
0x34: {  	[smem:$0x3FB3] =	sst s10  }
0x35: {  	s10 =	sld [smem:$0x3FB2];
	_ =	sdelay $0x3  }
0x36: {  	p1 =	seq.s32 s10, $0x1;
	s10 =	sld [smem:$0x3FB3];
	_ =	sdelay $0x3  }
0x37: {  	[smem:$0x3FB3] =	sst s10  }
0x38: {  	s10 =	sld [smem:$0x3FB4]  }
0x39: {  	_ = 	snop;
	(pc) =	sbr.ind lr, $3  }
0x3a: {  	_ = 	snop  }
0x3b: {  	_ = 	snop  }
0x3c: {  	p2 =	seq.s32 s10, $0x1;
	s10 =	sld [smem:$0x3FB3]  }
0x3d: {  	_ =	shalt  }
0x3e: {  	_ =	shalt  }
0x3f: {  	_ =	shalt  }
0x40: {  	_ =	shalt  }
0x41: {  	_ =	shalt  }
0x42: {  	_ =	shalt  }
0x43: {  	_ =	shalt  }
0x44: {  	_ =	shalt  }
0x45: {  	_ =	shalt  }
0x46: {  	_ =	shalt  }
0x47: {  	_ =	shalt  }
0x48: {  	_ =	shalt  }
0x49: {  	_ =	shalt  }
0x4a: {  	_ =	shalt  }
0x4b: {  	_ =	shalt  }
0x4c: {  	_ =	shalt  }
0x4d: {  	_ =	shalt  }
0x4e: {  	_ =	shalt  }
0x4f: {  	_ =	shalt  }
0x50: {  	_ =	shalt  }
0x51: {  	_ =	shalt  }
0x52: {  	_ =	shalt  }
0x53: {  	_ =	shalt  }
0x54: {  	_ =	shalt  }
0x55: {  	_ =	shalt  }
0x56: {  	_ =	shalt  }
0x57: {  	_ =	shalt  }
0x58: {  	_ =	shalt  }
0x59: {  	_ =	shalt  }
0x5a: {  	_ =	shalt  }
0x5b: {  	_ =	shalt  }
0x5c: {  	_ =	shalt  }
0x5d: {  	_ =	shalt  }
0x5e: {  	_ =	shalt  }
0x5f: {  	_ =	shalt  }
0x60: {  	_ =	shalt  }
0x61: {  	_ =	shalt  }
0x62: {  	_ =	shalt  }
0x63: {  	_ =	shalt  }
0x64: {  	_ =	shalt  }
0x65: {  	_ =	shalt  }
0x66: {  	_ =	shalt  }
0x67: {  	_ =	shalt  }
0x68: {  	_ =	shalt  }
0x69: {  	_ =	shalt  }
0x6a: {  	_ =	shalt  }
0x6b: {  	_ =	shalt  }
0x6c: {  	_ =	shalt  }
0x6d: {  	_ =	shalt  }
0x6e: {  	_ =	shalt  }
0x6f: {  	_ =	shalt  }
0x70: {  	_ =	shalt  }
0x71: {  	_ =	shalt  }
0x72: {  	_ =	shalt  }
0x73: {  	_ =	shalt  }
0x74: {  	_ =	shalt  }
0x75: {  	_ =	shalt  }
0x76: {  	_ =	shalt  }
0x77: {  	_ =	shalt  }
0x78: {  	_ =	shalt  }
0x79: {  	_ =	shalt  }
0x7a: {  	_ =	shalt  }
0x7b: {  	_ =	shalt  }
0x7c: {  	_ =	shalt  }
0x7d: {  	_ =	shalt  }
0x7e: {  	_ =	shalt  }
0x7f: {  	_ =	shalt  }
0x80: {  	_ =	shalt  }
0x81: {  	_ =	shalt  }
0x82: {  	_ =	shalt  }
0x83: {  	_ =	shalt  }
0x84: {  	_ =	shalt  }
0x85: {  	_ =	shalt  }
0x86: {  	_ =	shalt  }
0x87: {  	_ =	shalt  }
.Lfunc_end0:
.L_simem_size_0:
called_computation.1_lowered:
.L_overlay_start_0:
0x88: {  	s2 =	sld [smem:$0x3FD9]  }
0x89: {  	s3 =	sld [smem:$0x3FFE];
	_ =	sdelay $0x1  }
0x8a: {  	s1 =	srdreg.scid  }
0x8b: {  	s0 =	sand.u32 $0x1, s1  }
0x8c: {  	s17 =	sshll.u32 s0, $0xA;
	s2 =	sadd.s32 s3, s2  }
0x8d: {  	s2 =	sadd.s32 s2, s17  }
0x8e: {  	[smem:$0x3FBF] =	sst s2  }
0x8f: {  	_ = 	snop  }
0x90: {  	s2 =	sld [smem:$0x3FC9]  }
0x91: {  	s18 =	sld [smem:$0x3FD0];
	(tm) =	ssettm $0x1  }
0x92: {  	s4 =	sld [smem:$0x3FFB];
	_ =	sdelay $0x3  }
0x93: {  	_ =	strace s4  }
0x94: {  	s4 =	sld [smem:$0x3FFC];
	_ =	sdelay $0x3  }
0x95: {  	_ =	strace s4  }
0x96: {  	s4 =	sld [smem:$0x3FFD];
	_ =	sdelay $0x3  }
0x97: {  	_ =	strace s4  }
0x98: {  	_ =	strace $0x8FFFFFFF  }
0x99: {  	s19 =	sld [smem:$0x3FDB];
	_ =	sdelay $0x1  }
0x9a: {  	s5 =	simm.s32 $_scs_section_size  }
0x9b: {  	s6 =	simm.s32 $_size__tile_overlayer_lowered;
	s7 =	simm.s32 $_tile_overlayer_lowered  }
0x9c: {  	s22 =	simm.s32 $0x1BFF;
	s21 =	sshll.u32 s7, $0x1;
	s4 =	sadd.s32 s5, s19  }
0x9d: {  	s8 =	simm.s32 $0x0;
	s20 =	sshll.u32 s6, $0x1;
	s6 =	sadd.s32 s21, s4  }
0x9e: {  	[timem:s8], [sflag:s22] =	dma.local [hbm:s6], s20  }
0x9f: {  	_ =	swait.ge [sflag:s22], s20  }
0xa0: {  	s5 =	ssub.s32 $0x0, s20;
	[sflag:s22] =	ssyncset.done $0x0  }
0xa1: {  	[sflag:s22] =	ssyncadd.s32 s5;
	_ =	sdelay $0x1  }
0xa2: {  	s23 =	simm.s32 $0x1B8B  }
0xa3: {  	_ =	swait.ge [sflag:s23], $0x1  }
0xa4: {  	[sflag:s23] =	ssyncset.done $0x0  }
0xa5: {  	s25 =	simm.s32 $0x1B8E;
	s24 =	sld [smem:$0x3FFE];
	[sflag:s23] =	ssyncadd.s32 $0xFFFFFFFF  }
0xa6: {  	s26 =	simm.s32 $execute0_lowered;
	[smem:$0x3FD2] =	sst s25  }
0xa7: {  	s6 =	sshll.u32 s26, $0x1;
	_ =	strace $0x80000049;
	[dreg:$0x1] =	wrdreg $0xFFFFFFFF  }
0xa8: {  	s28 =	simm.s32 $_size_execute0_lowered;
	s4 =	sadd.s32 s4, s6;
	[dreg:$0x0] =	wrdreg $0x0  }
0xa9: {  	s6 =	sshll.u32 s28, $0x1;
	[dreg:$0x2] =	wrdreg s4  }
0xaa: {  	[dreg:$0x3] =	wrdreg s6  }
0xab: {  	[dreg:$0x4] =	wrdreg $0xC0  }
0xac: {  	_ =	task [dreg:s8], $0x5FFFF  }
0xad: {  	[dreg:$0x1] =	wrdreg $0xFFFFFFFF  }
0xae: {  	[dreg:$0x0] =	wrdreg $0x60  }
0xaf: {  	[dreg:$0x2] =	wrdreg s2  }
0xb0: {  	[dreg:$0x3] =	wrdreg s24  }
0xb1: {  	[dreg:$0x4] =	wrdreg s18  }
0xb2: {  	[dreg:$0x5] =	wrdreg $0xC2000  }
0xb3: {  	[dreg:$0x6] =	wrdreg $0x9  }
0xb4: {  	_ =	task.clear_ibuf [dreg:s8], $0x7FFFF;
	_ =	strace $0x90000049  }
0xb5: {  	s29 =	simm.s32 $0x9;
	_ =	strace $0x8000004B  }
0xb6: {  	_ =	swait.ge [sflag:s29], $0x1  }
0xb7: {  	[sflag:s29] =	ssyncadd.s32 $0xFFFFFFFF  }
0xb8: {  	_ =	strace $0x9000004B  }
0xb9: {  	_ =	sfence  }
0xba: {  	s30 =	sld [smem:$0x0];
	_ =	sdelay $0x2  }
0xbb: {  	s31 =	sshll.u32 s1, $0xD;
	s1 =	sshrl.u32 s1, $0x2  }
0xbc: {  	s3 =	sand.u32 $0x4000, s31;
	s1 =	sadd.s32 s1, s30  }
0xbd: {  	s0 =	sor.u32 s3, s0;
	s1 =	sshll.u32 s1, $0x11  }
0xbe: {  	s0 =	sor.u32 s1, s0  }
0xbf: {  	s0 =	sadd.s32 $0x8F2B, s0  }
0xc0: {  	[sflag:s0] =	ssyncadd.remote.s32 $0x1  }
0xc1: {  	_ =	sfence.sel $0xFFFF  }
0xc2: {  	[dreg:$0x0] =	wrdreg $0xFFFFFFFF;
	(pc) =	sbr.abs _section_cstart, $3  }
0xc3: {  	[dreg:$0x1] =	wrdreg $0xFFFFFFFF  }
0xc4: {  	_ =	task.clear_ibuf [dreg:s8], $0x2FFFF;
	_ =	strace $0x9FFFFFFF  }
0xc5: {  	(tm) =	ssettm $0x7FFFFFFF  }
tec
execute0_lowered:
.L_overlay_start_1:
0x0: {  	(tag) =	ssettag $0x1  }
0x1: {  	s1 =	rddreg [dreg:$0x0]  }
0x2: {  	s0 =	rddreg [dreg:$0x1]  }
0x3: {  	s4 =	rddreg [dreg:$0x2]  }
0x4: {  	s2 =	rddreg [dreg:$0x3]  }
0x5: {  	s3 =	simm.s32 $0x0;
	s24 =	srdreg.scid;
	s28 =	simm.s32 $0x2780  }
0x6: {  	s29 =	simm.s32 $0x5100;
	s30 =	simm.s32 $0x4F00;
	s31 =	simm.s32 $0x4F80  }
0x7: {  	[smem:$0x7FF] =	sst s3;
	s5 =	sadd.s32 $0x28400, s0;
	s23 =	sadd.s32 $0x27E00, s0  }
0x8: {  	s7 =	sadd.s32 $0x14200, s0;
	s8 =	sadd.s32 $0xA400, s0;
	s9 =	sadd.s32 $0x1E000, s0  }
0x9: {  	_ =	strace $0x8000004A;
	[dreg:$0x6] =	wrdreg s23;
	s23 =	stileid.u32  }
0xa: {  	[dreg:$0x5] =	wrdreg s5;
	s5 =	sand.u32 $0x1, s24;
	s10 =	smul.u32 $0x4F000, s23  }
0xb: {  	s0 =	sadd.s32 $0x28A00, s0;
	s6 =	ssub.s32 $0x2, s5;
	s15 =	smul.u32 $0x13C00, s23  }
0xc: {  	s12 =	sshll.u32 s23, $0x1;
	s18 =	smul.u32 $0x13C000, s5;
	s20 =	sshrl.u32 s23, $0x3  }
0xd: {  	s26 =	sshll.u32 s23, $0x7;
	s25 =	sor.u32 s5, s12;
	s5 =	smul.u32 $0x27800, s5  }
0xe: {  	s11 =	sshrl.u32 s6, $0x1;
	s20 =	smul.u32 $0x13C00, s20;
	s10 =	sshrl.u32 s10, $0x2  }
0xf: {  	s6 =	ssub.s32 s6, s11;
	s16 =	sadd.s32 $0x4000, s15;
	s17 =	sadd.s32 $0x8000, s15  }
0x10: {  	s11 =	smul.u32 $0x2710, s25;
	s19 =	sadd.s32 $0xC000, s15;
	s21 =	sadd.s32 $0x10000, s15  }
0x11: {  	s22 =	sadd.s32 s15, s18;
	s10 =	sadd.s32 s10, s2;
	s12 =	sadd.s32 s16, s2  }
0x12: {  	s13 =	sadd.s32 s17, s2;
	s14 =	sadd.s32 s19, s2;
	s16 =	sadd.s32 s18, s16  }
0x13: {  	s17 =	sadd.s32 s18, s17;
	s19 =	sadd.s32 s18, s19;
	s5 =	sadd.s32 s5, s20  }
0x14: {  	s18 =	sadd.s32 s18, s21;
	s15 =	sadd.s32 s21, s2;
	s20 =	sand.u32 $0x380, s26  }
0x15: {  	s24 =	sshrl.u32 s22, $0x3;
	s5 =	sor.u32 s20, s5;
	s23 =	sshrl.u32 s11, $0x3  }
0x16: {  	s21 =	sadd.s32 s0, s24;
	s16 =	sshrl.u32 s16, $0x3;
	s25 =	sshrl.u32 s17, $0x3  }
0x17: {  	s26 =	sshrl.u32 s19, $0x3;
	[dreg:$0x7] =	wrdreg s21;
	s16 =	sadd.s32 s0, s16  }
0x18: {  	s20 =	sadd.s32 $0x4E0, s23;
	s19 =	sadd.s32 s0, s26;
	[dreg:$0x8] =	wrdreg s16  }
0x19: {  	s21 =	sshrl.u32 s18, $0x3;
	s26 =	smax.u32 s6, $0x1;
	[dreg:$0xa] =	wrdreg s19  }
0x1a: {  	s23 =	sshrl.u32 s5, $0x3;
	s16 =	sadd.s32 s0, s25;
	[dreg:$0x10] =	wrdreg s26  }
0x1b: {  	s5 =	simm.s32 $0x1;
	s0 =	sadd.s32 s0, s21;
	[dreg:$0x9] =	wrdreg s16  }
0x1c: {  	s6 =	simm.s32 $0x9A80;
	s22 =	sadd.s32 s7, s20;
	[dreg:$0xb] =	wrdreg s0  }
0x1d: {  	s24 =	sadd.s32 s8, s20;
	s25 =	sadd.s32 s9, s20;
	[dreg:$0xc] =	wrdreg s22  }
0x1e: {  	s26 =	simm.s32 $0x2;
	s21 =	simm.s32 $0x0;
	[dreg:$0xe] =	wrdreg s24  }
0x1f: {  	s0 =	sadd.s32 s4, s23;
	[dreg:$0xf] =	wrdreg s25;
	s4 =	simm.s32 $0x80  }
0x20: {  	v0 =	vimm.f32 $0.0e+00;
	v1 =	vimm.f32 $1.000000000e+00;
	s16 =	simm.s32 $0x5080;
	[dreg:$0xd] =	wrdreg s0;
	s0 =	simm.s32 $0x5000  }
.LBB2_1:
0x21: {  	s17 =	rddreg [dreg:$0x5]  }
0x22: {  	[tilespmem:s3], [sflag:$0x2] =	stream.linear.gather [hbm4b:s17+s3], $0x2780, $0x38;
	[tilespmem:$0x1FE00] =	vst v63  }
0x23: {  	_ =	swait.ge [sflag:s26], $0x2780  }
0x24: {  	[sflag:s26] =	ssyncset.done $0x0  }
0x25: {  	s25 =	rddreg [dreg:$0x6];
	[sflag:s26] =	ssyncadd.s32 $0xFFFFD880  }
0x26: {  	[tilespmem:s28], [sflag:$0x2] =	stream.linear.gather [hbm4b:s25+s3], $0x2780, $0x38;
	[tilespmem:$0x1FE00] =	vst v63  }
0x27: {  	_ =	swait.ge [sflag:s26], $0x2780  }
0x28: {  	[sflag:s26] =	ssyncset.done $0x0  }
0x29: {  	s18 =	simm.s32 $0x200;
	s17 =	simm.s32 $0x0;
	[sflag:s26] =	ssyncadd.s32 $0xFFFFD880  }
.LBB2_2:
0x2a: {  	p0 =	sne.s32 s18, $0xFE00;
	[tilespmem:s17+$0x5170] =	vst v0  }
0x2b: {  	[tilespmem:s17+$0x5100] =	vst v0  }
0x2c: {  	[tilespmem:s17+$0x5110] =	vst v0  }
.Ltmp0:
0x2d: {  	[tilespmem:s17+$0x5120] =	vst v0;
	(pc) =	sbr.rel @p0 .LBB2_2-.Ltmp0, $4  }
0x2e: {  	[tilespmem:s17+$0x5130] =	vst v0  }
0x2f: {  	[tilespmem:s17+$0x5140] =	vst v0  }
0x30: {  	[tilespmem:s17+$0x5150] =	vst v0  }
0x31: {  	[tilespmem:s17+$0x5160] =	vst v0;
	s17 =	sshra.s32 s18, $0x2;
	s18 =	sadd.s32 $0x200, s18  }
0x32: {  	[tilespmem:s17+$0x5170] =	vst v0  }
0x33: {  	[tilespmem:s17+$0x5100] =	vst v0  }
0x34: {  	[tilespmem:s17+$0x5110] =	vst v0  }
0x35: {  	[tilespmem:s17+$0x5120] =	vst v0  }
0x36: {  	[tilespmem:s17+$0x5130] =	vst v0  }
0x37: {  	[tilespmem:s17+$0x5140] =	vst v0  }
0x38: {  	[tilespmem:s17+$0x5150] =	vst v0  }
0x39: {  	[tilespmem:s17+$0x5160] =	vst v0;
	s17 =	simm.s32 $0x40;
	s18 =	simm.s32 $0x0  }
.LBB2_4:
0x3a: {  	p0 =	sne.s32 s17, $0x9DC0;
	[tilespmem:s18+$0x9A80] =	vst v0;
	s18 =	smov.u32 s17;
	s17 =	sadd.s32 $0x40, s17  }
.Ltmp1:
0x3b: {  	(pc) =	sbr.rel @p0 .LBB2_4-.Ltmp1, $2  }
0x3c: {  	_ =	sdelay $0x2  }
0x3d: {  	s18 =	sshra.s32 s18, $0x2  }
0x3e: {  	[tilespmem:s18+$0x9A80] =	vst v0  }
0x3f: {  	[spmem:s10] =	stream.linear.scatter [tilespmem:s29], [sflag:$0x2], $0x4000, $0x38;
	[tilespmem:$0x1FE00] =	vst v63  }
0x40: {  	_ =	swait.ge [sflag:s26], $0x4000  }
0x41: {  	[sflag:s26] =	ssyncset.done $0x0  }
0x42: {  	[sflag:s26] =	ssyncadd.s32 $0xFFFFC000  }
0x43: {  	[spmem:s12] =	stream.linear.scatter [tilespmem:s29], [sflag:$0x2], $0x4000, $0x38;
	[tilespmem:$0x1FE00] =	vst v63  }
0x44: {  	_ =	swait.ge [sflag:s26], $0x4000  }
0x45: {  	[sflag:s26] =	ssyncset.done $0x0  }
0x46: {  	[sflag:s26] =	ssyncadd.s32 $0xFFFFC000  }
0x47: {  	[spmem:s13] =	stream.linear.scatter [tilespmem:s29], [sflag:$0x2], $0x4000, $0x38;
	[tilespmem:$0x1FE00] =	vst v63  }
0x48: {  	_ =	swait.ge [sflag:s26], $0x4000  }
0x49: {  	[sflag:s26] =	ssyncset.done $0x0  }
0x4a: {  	[sflag:s26] =	ssyncadd.s32 $0xFFFFC000  }
0x4b: {  	[spmem:s14] =	stream.linear.scatter [tilespmem:s29], [sflag:$0x2], $0x4000, $0x38;
	[tilespmem:$0x1FE00] =	vst v63  }
0x4c: {  	_ =	swait.ge [sflag:s26], $0x4000  }
0x4d: {  	[sflag:s26] =	ssyncset.done $0x0  }
0x4e: {  	[sflag:s26] =	ssyncadd.s32 $0xFFFFC000  }
0x4f: {  	[spmem:s15] =	stream.linear.scatter [tilespmem:s29], [sflag:$0x2], $0x3C00, $0x38;
	[tilespmem:$0x1FE00] =	vst v63  }
0x50: {  	_ =	swait.ge [sflag:s26], $0x3C00  }
0x51: {  	[sflag:s26] =	ssyncset.done $0x0  }
0x52: {  	[sflag:s26] =	ssyncadd.s32 $0xFFFFC400  }
0x53: {  	s22 =	simm.s32 $0x0;
	s23 =	simm.s32 $0x0;
	[bflag:$0x0] =	sbarrier.arrive $0xFFFF  }
.LBB2_6:
0x54: {  	s17 =	sshll.u32 s23, $0x7  }
0x55: {  	s17 =	sadd.s32 s11, s17  }
0x56: {  	s17 =	sshrl.u32 s17, $0x3  }
0x57: {  	s18 =	sadd.s32 s7, s17  }
0x58: {  	[tilespmem:s30], [sflag:$0x2] =	stream.linear.gather [hbm4b:s18+s22], $0x80, $0x38;
	[tilespmem:$0x1FE00] =	vst v63  }
0x59: {  	_ =	swait.ge [sflag:s26], $0x80  }
0x5a: {  	[sflag:s26] =	ssyncset.done $0x0  }
0x5b: {  	s19 =	sadd.s32 s8, s17;
	[sflag:s26] =	ssyncadd.s32 $0xFFFFFF80  }
0x5c: {  	[tilespmem:s31], [sflag:$0x2] =	stream.linear.gather [hbm4b:s19+s22], $0x80, $0x38;
	[tilespmem:$0x1FE00] =	vst v63  }
0x5d: {  	_ =	swait.ge [sflag:s26], $0x80  }
0x5e: {  	[sflag:s26] =	ssyncset.done $0x0  }
0x5f: {  	s17 =	sadd.s32 s9, s17;
	[sflag:s26] =	ssyncadd.s32 $0xFFFFFF80  }
0x60: {  	[tilespmem:s0], [sflag:$0x2] =	stream.linear.gather [hbm4b:s17+s22], $0x80, $0x38;
	[tilespmem:$0x1FE00] =	vst v63  }
0x61: {  	_ =	swait.ge [sflag:s26], $0x80  }
0x62: {  	[sflag:s26] =	ssyncset.done $0x0  }
0x63: {  	[sflag:s26] =	ssyncadd.s32 $0xFFFFFF80  }
0x64: {  	[tilespmem:s29], [sflag:$0x1] =	stream.indirect.gather [hbm4b:s1+s4], $0x80, s0, s4, $0xb8;
	[tilespmem:$0x1FE00] =	vst v63  }
0x65: {  	_ =	swait.ge [sflag:s5], $0x4000  }
0x66: {  	[sflag:s5] =	ssyncset.done $0x0  }
0x67: {  	[sflag:s5] =	ssyncadd.s32 $0xFFFFC000  }
0x68: {  	v2 =	vld [tilespmem:$0x4F00]  }
0x69: {  	v3 =	vld [tilespmem:$0x4F80];
	_ =	sdelay $0x6  }
0x6a: {  	v2 =	vld.idx.msk [tilespmem:v2+s22+$0x0], $0xffff  }
0x6b: {  	v4 =	vld.idx.msk [tilespmem:v3+s28+$0x0], $0xffff;
	_ =	sdelay $0x4  }
0x6c: {  	v2 =	vadd.f32 v4, v2;
	_ =	sdelay $0x1  }
0x6d: {  	v2 =	vmax.f32 v2, $0.0e+00  }
0x6e: {  	v2 =	vsub.f32 $0.0e+00, v2;
	_ =	sdelay $0x1  }
0x6f: {  	v2 =	vmul.f32 $1.442695020e+00, v2;
	_ =	sdelay $0x1  }
0x70: {  	(erf) = vpow2.f32 v2;
	_ =	sdelay $0x8  }
0x71: {  	v2 =	vpop (erf)  }
0x72: {  	v2 =	vadd.f32 $1.000000000e+00, v2;
	_ =	sdelay $0x1  }
0x73: {  	(erf) = vrcp.f32 v2;
	_ =	sdelay $0x8  }
0x74: {  	v2 =	vpop (erf)  }
0x75: {  	[tilespmem:$0x5080] =	vst v2  }
0x76: {  	[tilespmem:v3+s6+$0x0] =	vst.idx.msk $0xffff, v1  }
0x77: {  	v2 =	vld [tilespmem:$0x4F10]  }
0x78: {  	v3 =	vld [tilespmem:$0x4F90];
	_ =	sdelay $0x6  }
0x79: {  	v2 =	vld.idx.msk [tilespmem:v2+s22+$0x0], $0xffff  }
0x7a: {  	v4 =	vld.idx.msk [tilespmem:v3+s28+$0x0], $0xffff;
	_ =	sdelay $0x4  }
0x7b: {  	v2 =	vadd.f32 v4, v2;
	_ =	sdelay $0x1  }
0x7c: {  	v2 =	vmax.f32 v2, $0.0e+00  }
0x7d: {  	v2 =	vsub.f32 $0.0e+00, v2;
	_ =	sdelay $0x1  }
0x7e: {  	v2 =	vmul.f32 $1.442695020e+00, v2;
	_ =	sdelay $0x1  }
0x7f: {  	(erf) = vpow2.f32 v2;
	_ =	sdelay $0x8  }
0x80: {  	v2 =	vpop (erf)  }
0x81: {  	v2 =	vadd.f32 $1.000000000e+00, v2;
	_ =	sdelay $0x1  }
0x82: {  	(erf) = vrcp.f32 v2;
	_ =	sdelay $0x8  }
0x83: {  	v2 =	vpop (erf)  }
0x84: {  	[tilespmem:$0x5090] =	vst v2  }
0x85: {  	[tilespmem:v3+s6+$0x0] =	vst.idx.msk $0xffff, v1  }
0x86: {  	v2 =	vld [tilespmem:$0x4F20]  }
0x87: {  	v3 =	vld [tilespmem:$0x4FA0];
	_ =	sdelay $0x6  }
0x88: {  	v2 =	vld.idx.msk [tilespmem:v2+s22+$0x0], $0xffff  }
0x89: {  	v4 =	vld.idx.msk [tilespmem:v3+s28+$0x0], $0xffff;
	_ =	sdelay $0x4  }
0x8a: {  	v2 =	vadd.f32 v4, v2;
	_ =	sdelay $0x1  }
0x8b: {  	v2 =	vmax.f32 v2, $0.0e+00  }
0x8c: {  	v2 =	vsub.f32 $0.0e+00, v2;
	_ =	sdelay $0x1  }
0x8d: {  	v2 =	vmul.f32 $1.442695020e+00, v2;
	_ =	sdelay $0x1  }
0x8e: {  	(erf) = vpow2.f32 v2;
	_ =	sdelay $0x8  }
0x8f: {  	v2 =	vpop (erf)  }
0x90: {  	v2 =	vadd.f32 $1.000000000e+00, v2;
	_ =	sdelay $0x1  }
0x91: {  	(erf) = vrcp.f32 v2;
	_ =	sdelay $0x8  }
0x92: {  	v2 =	vpop (erf)  }
0x93: {  	[tilespmem:$0x50A0] =	vst v2  }
0x94: {  	[tilespmem:v3+s6+$0x0] =	vst.idx.msk $0xffff, v1  }
0x95: {  	v2 =	vld [tilespmem:$0x4F30]  }
0x96: {  	v3 =	vld [tilespmem:$0x4FB0];
	_ =	sdelay $0x6  }
0x97: {  	v2 =	vld.idx.msk [tilespmem:v2+s22+$0x0], $0xffff  }
0x98: {  	v4 =	vld.idx.msk [tilespmem:v3+s28+$0x0], $0xffff;
	_ =	sdelay $0x4  }
0x99: {  	v2 =	vadd.f32 v4, v2;
	_ =	sdelay $0x1  }
0x9a: {  	v2 =	vmax.f32 v2, $0.0e+00  }
0x9b: {  	v2 =	vsub.f32 $0.0e+00, v2;
	_ =	sdelay $0x1  }
0x9c: {  	v2 =	vmul.f32 $1.442695020e+00, v2;
	_ =	sdelay $0x1  }
0x9d: {  	(erf) = vpow2.f32 v2;
	_ =	sdelay $0x8  }
0x9e: {  	v2 =	vpop (erf)  }
0x9f: {  	v2 =	vadd.f32 $1.000000000e+00, v2;
	_ =	sdelay $0x1  }
0xa0: {  	(erf) = vrcp.f32 v2;
	_ =	sdelay $0x8  }
0xa1: {  	v2 =	vpop (erf)  }
0xa2: {  	[tilespmem:$0x50B0] =	vst v2  }
0xa3: {  	[tilespmem:v3+s6+$0x0] =	vst.idx.msk $0xffff, v1  }
0xa4: {  	v2 =	vld [tilespmem:$0x4F40]  }
0xa5: {  	v3 =	vld [tilespmem:$0x4FC0];
	_ =	sdelay $0x6  }
0xa6: {  	v2 =	vld.idx.msk [tilespmem:v2+s22+$0x0], $0xffff  }
0xa7: {  	v4 =	vld.idx.msk [tilespmem:v3+s28+$0x0], $0xffff;
	_ =	sdelay $0x4  }
0xa8: {  	v2 =	vadd.f32 v4, v2;
	_ =	sdelay $0x1  }
0xa9: {  	v2 =	vmax.f32 v2, $0.0e+00  }
0xaa: {  	v2 =	vsub.f32 $0.0e+00, v2;
	_ =	sdelay $0x1  }
0xab: {  	v2 =	vmul.f32 $1.442695020e+00, v2;
	_ =	sdelay $0x1  }
0xac: {  	(erf) = vpow2.f32 v2;
	_ =	sdelay $0x8  }
0xad: {  	v2 =	vpop (erf)  }
0xae: {  	v2 =	vadd.f32 $1.000000000e+00, v2;
	_ =	sdelay $0x1  }
0xaf: {  	(erf) = vrcp.f32 v2;
	_ =	sdelay $0x8  }
0xb0: {  	v2 =	vpop (erf)  }
0xb1: {  	[tilespmem:$0x50C0] =	vst v2  }
0xb2: {  	[tilespmem:v3+s6+$0x0] =	vst.idx.msk $0xffff, v1  }
0xb3: {  	v2 =	vld [tilespmem:$0x4F50]  }
0xb4: {  	v3 =	vld [tilespmem:$0x4FD0];
	_ =	sdelay $0x6  }
0xb5: {  	v2 =	vld.idx.msk [tilespmem:v2+s22+$0x0], $0xffff  }
0xb6: {  	v4 =	vld.idx.msk [tilespmem:v3+s28+$0x0], $0xffff;
	_ =	sdelay $0x4  }
0xb7: {  	v2 =	vadd.f32 v4, v2;
	_ =	sdelay $0x1  }
0xb8: {  	v2 =	vmax.f32 v2, $0.0e+00  }
0xb9: {  	v2 =	vsub.f32 $0.0e+00, v2;
	_ =	sdelay $0x1  }
0xba: {  	v2 =	vmul.f32 $1.442695020e+00, v2;
	_ =	sdelay $0x1  }
0xbb: {  	(erf) = vpow2.f32 v2;
	_ =	sdelay $0x8  }
0xbc: {  	v2 =	vpop (erf)  }
0xbd: {  	v2 =	vadd.f32 $1.000000000e+00, v2;
	_ =	sdelay $0x1  }
0xbe: {  	(erf) = vrcp.f32 v2;
	_ =	sdelay $0x8  }
0xbf: {  	v2 =	vpop (erf)  }
0xc0: {  	[tilespmem:$0x50D0] =	vst v2  }
0xc1: {  	[tilespmem:v3+s6+$0x0] =	vst.idx.msk $0xffff, v1  }
0xc2: {  	v2 =	vld [tilespmem:$0x4F60]  }
0xc3: {  	v3 =	vld [tilespmem:$0x4FE0];
	_ =	sdelay $0x6  }
0xc4: {  	v2 =	vld.idx.msk [tilespmem:v2+s22+$0x0], $0xffff  }
0xc5: {  	v4 =	vld.idx.msk [tilespmem:v3+s28+$0x0], $0xffff;
	_ =	sdelay $0x4  }
0xc6: {  	v2 =	vadd.f32 v4, v2;
	_ =	sdelay $0x1  }
0xc7: {  	v2 =	vmax.f32 v2, $0.0e+00  }
0xc8: {  	v2 =	vsub.f32 $0.0e+00, v2;
	_ =	sdelay $0x1  }
0xc9: {  	v2 =	vmul.f32 $1.442695020e+00, v2;
	_ =	sdelay $0x1  }
0xca: {  	(erf) = vpow2.f32 v2;
	_ =	sdelay $0x8  }
0xcb: {  	v2 =	vpop (erf)  }
0xcc: {  	v2 =	vadd.f32 $1.000000000e+00, v2;
	_ =	sdelay $0x1  }
0xcd: {  	(erf) = vrcp.f32 v2;
	_ =	sdelay $0x8  }
0xce: {  	v2 =	vpop (erf)  }
0xcf: {  	[tilespmem:$0x50E0] =	vst v2  }
0xd0: {  	[tilespmem:v3+s6+$0x0] =	vst.idx.msk $0xffff, v1  }
0xd1: {  	v2 =	vld [tilespmem:$0x4F70]  }
0xd2: {  	v3 =	vld [tilespmem:$0x4FF0];
	_ =	sdelay $0x6  }
0xd3: {  	v2 =	vld.idx.msk [tilespmem:v2+s22+$0x0], $0xffff  }
0xd4: {  	v4 =	vld.idx.msk [tilespmem:v3+s28+$0x0], $0xffff;
	_ =	sdelay $0x4  }
0xd5: {  	v2 =	vadd.f32 v4, v2;
	_ =	sdelay $0x1  }
0xd6: {  	v2 =	vmax.f32 v2, $0.0e+00  }
0xd7: {  	v2 =	vsub.f32 $0.0e+00, v2;
	_ =	sdelay $0x1  }
0xd8: {  	v2 =	vmul.f32 $1.442695020e+00, v2;
	_ =	sdelay $0x1  }
0xd9: {  	(erf) = vpow2.f32 v2;
	_ =	sdelay $0x8  }
0xda: {  	v2 =	vpop (erf)  }
0xdb: {  	v2 =	vadd.f32 $1.000000000e+00, v2;
	_ =	sdelay $0x1  }
0xdc: {  	(erf) = vrcp.f32 v2;
	_ =	sdelay $0x4  }
0xdd: {  	v2 =	vmov s22  }
0xde: {  	v2 =	vand.u32 $0xFFFFFFFC, v2  }
0xdf: {  	v2 =	vbroadcast v2, $0x0;
	_ =	sdelay $0x1  }
0xe0: {  	v4 =	vpop (erf)  }
0xe1: {  	[tilespmem:$0x50F0] =	vst v4  }
0xe2: {  	s24 =	simm.s32 $0x5200;
	[tilespmem:v3+s6+$0x0] =	vst.idx.msk $0xffff, v1  }
0xe3: {  	v3 =	vld [tilespmem:s24+$0xFFFFFF70]  }
0xe4: {  	v2 =	vld.idx.msk [tilespmem:v2+s16+$0x0], $0xffff  }
0xe5: {  	v4 =	vld [tilespmem:s24+$0xFFFFFF00]  }
0xe6: {  	v5 =	vld [tilespmem:s24+$0xFFFFFF20]  }
0xe7: {  	v6 =	vld [tilespmem:s24+$0xFFFFFF50]  }
0xe8: {  	v7 =	vld [tilespmem:s24+$0xFFFFFF40]  }
0xe9: {  	v8 =	vld [tilespmem:s24+$0xFFFFFF60];
	v3 =	vmul.f32 v3, v2  }
0xea: {  	s20 =	simm.s32 $0x1;
	v9 =	vld [tilespmem:s24+$0xFFFFFF30];
	v4 =	vmul.f32 v4, v2  }
0xeb: {  	v10 =	vld [tilespmem:s24+$0xFFFFFF10];
	v5 =	vmul.f32 v5, v2;
	[tilespmem:s24+$0xFFFFFF70] =	vst v3;
	v3 =	vmov s20  }
0xec: {  	v6 =	vmul.f32 v6, v2;
	[tilespmem:s24+$0xFFFFFF00] =	vst v4;
	v3 =	vand.u32 $0xFFFFFFFD, v3  }
0xed: {  	v4 =	vmul.f32 v7, v2;
	[tilespmem:s24+$0xFFFFFF20] =	vst v5;
	v3 =	vbroadcast v3, $0x0  }
0xee: {  	v5 =	vmul.f32 v8, v2;
	[tilespmem:s24+$0xFFFFFF50] =	vst v6  }
0xef: {  	v6 =	vmul.f32 v9, v2;
	[tilespmem:s24+$0xFFFFFF40] =	vst v4  }
0xf0: {  	v2 =	vmul.f32 v10, v2;
	[tilespmem:s24+$0xFFFFFF60] =	vst v5  }
0xf1: {  	[tilespmem:s24+$0xFFFFFF30] =	vst v6  }
0xf2: {  	[tilespmem:s24+$0xFFFFFF10] =	vst v2;
	v2 =	vld [tilespmem:s24+$0xFFFFFF90]  }
0xf3: {  	v4 =	vld.idx.msk [tilespmem:v3+s16+$0x0], $0xffff  }
0xf4: {  	v3 =	vld [tilespmem:s24+$0xFFFFFFA0]  }
0xf5: {  	v5 =	vld [tilespmem:s24+$0xFFFFFF80]  }
0xf6: {  	v6 =	vld [tilespmem:s24+$0xFFFFFFB0]  }
0xf7: {  	v7 =	vld [tilespmem:s24+$0xFFFFFFC0]  }
0xf8: {  	v8 =	vld [tilespmem:s24+$0xFFFFFFD0];
	v2 =	vmul.f32 v2, v4  }
0xf9: {  	s25 =	simm.s32 $0x2;
	v9 =	vld [tilespmem:s24+$0xFFFFFFF0];
	v3 =	vmul.f32 v3, v4  }
0xfa: {  	v10 =	vld [tilespmem:s24+$0xFFFFFFE0];
	v5 =	vmul.f32 v5, v4;
	[tilespmem:s24+$0xFFFFFF90] =	vst v2;
	v2 =	vmov s25  }
0xfb: {  	v6 =	vmul.f32 v6, v4;
	[tilespmem:s24+$0xFFFFFFA0] =	vst v3;
	v2 =	vand.u32 $0xFFFFFFFE, v2  }
0xfc: {  	v3 =	vmul.f32 v7, v4;
	[tilespmem:s24+$0xFFFFFF80] =	vst v5;
	v7 =	vld [tilespmem:s24+$0x60];
	v11 =	vbroadcast v2, $0x0  }
0xfd: {  	v5 =	vmul.f32 v8, v4;
	[tilespmem:s24+$0xFFFFFFB0] =	vst v6;
	v8 =	vld [tilespmem:s24+$0x0]  }
0xfe: {  	v6 =	vmul.f32 v9, v4;
	v2 =	vld [tilespmem:s24+$0x20];
	[tilespmem:s24+$0xFFFFFFC0] =	vst v3  }
0xff: {  	v4 =	vmul.f32 v10, v4;
	v3 =	vld [tilespmem:s24+$0x30];
	[tilespmem:s24+$0xFFFFFFD0] =	vst v5  }
0x100: {  	[tilespmem:s24+$0xFFFFFFF0] =	vst v6;
	v5 =	vld [tilespmem:s24+$0x40]  }
0x101: {  	[tilespmem:s24+$0xFFFFFFE0] =	vst v4;
	v6 =	vld [tilespmem:s24+$0x10]  }
0x102: {  	s18 =	simm.s32 $0x5200;
	s17 =	simm.s32 $0x4;
	s25 =	simm.s32 $0x0;
	v4 =	vld.idx.msk [tilespmem:v11+s16+$0x0], $0xffff  }
.LBB2_7:
0x103: {  	p0 =	slt.u32 s17, $0x7C  }
0x104: {  	v9 =	vld [tilespmem:s24+$0x50];
	s18 =	sadd.s32 $0x200, s18;
	s19 =	smov.u32 s17;
	s17 =	sadd.s32 $0x4, s17  }
0x105: {  	v10 =	vld [tilespmem:s24+$0x70];
	_ =	sdelay $0x1  }
0x106: {  	v7 =	vmul.f32 v7, v4;
	v8 =	vmul.f32 v8, v4  }
0x107: {  	v5 =	vmul.f32 v5, v4;
	v6 =	vmul.f32 v6, v4  }
0x108: {  	v2 =	vmul.f32 v2, v4;
	v3 =	vmul.f32 v3, v4;
	[tilespmem:s24+$0x60] =	vst v7  }
0x109: {  	[tilespmem:s24+$0x40] =	vst v5;
	v5 =	vmul.f32 v9, v4;
	v4 =	vmul.f32 v10, v4  }
0x10a: {  	s20 =	sadd.s32 $0x3, s25;
	s25 =	smov.u32 s19;
	[tilespmem:s24+$0x20] =	vst v2;
	v7 =	vld [tilespmem:s24+$0x80]  }
0x10b: {  	v2 =	vld [tilespmem:s18+$0x20];
	[tilespmem:s24+$0x0] =	vst v8;
	v8 =	vmov s20  }
0x10c: {  	[tilespmem:s24+$0x50] =	vst v5;
	v5 =	vld [tilespmem:s24+$0xE0]  }
0x10d: {  	[tilespmem:s24+$0x30] =	vst v3;
	v9 =	vld [tilespmem:s24+$0xC0]  }
0x10e: {  	v3 =	vld [tilespmem:s18+$0x30];
	[tilespmem:s24+$0x10] =	vst v6  }
0x10f: {  	[tilespmem:s24+$0x70] =	vst v4;
	v4 =	vld [tilespmem:s24+$0xA0]  }
0x110: {  	v6 =	vld.idx.msk [tilespmem:v8+s16+$0x0], $0xffff  }
0x111: {  	v8 =	vld [tilespmem:s24+$0x90]  }
0x112: {  	v10 =	vld [tilespmem:s24+$0xB0]  }
0x113: {  	v11 =	vld [tilespmem:s24+$0xD0]  }
0x114: {  	v12 =	vld [tilespmem:s24+$0xF0];
	_ =	sdelay $0x1  }
0x115: {  	v7 =	vmul.f32 v7, v6;
	v8 =	vmul.f32 v8, v6  }
0x116: {  	v4 =	vmul.f32 v4, v6;
	v10 =	vmul.f32 v10, v6  }
0x117: {  	v13 =	vmov s25;
	[tilespmem:s24+$0x80] =	vst v7;
	v7 =	vmul.f32 v9, v6;
	v9 =	vmul.f32 v11, v6  }
0x118: {  	v11 =	vand.u32 $0xFFFFFFFC, v13;
	[tilespmem:s24+$0xA0] =	vst v4;
	v4 =	vmul.f32 v5, v6;
	v5 =	vmul.f32 v12, v6  }
0x119: {  	v6 =	vbroadcast v11, $0x0;
	[tilespmem:s24+$0xC0] =	vst v7  }
0x11a: {  	[tilespmem:s24+$0xF0] =	vst v5  }
0x11b: {  	v5 =	vld [tilespmem:s18+$0xFFFFFF40];
	[tilespmem:s24+$0xE0] =	vst v4  }
0x11c: {  	v4 =	vld [tilespmem:s18+$0xFFFFFF50];
	[tilespmem:s24+$0x90] =	vst v8  }
0x11d: {  	v7 =	vld [tilespmem:s18+$0xFFFFFF60];
	[tilespmem:s24+$0xB0] =	vst v10  }
0x11e: {  	v8 =	vld [tilespmem:s18+$0xFFFFFF70];
	[tilespmem:s24+$0xD0] =	vst v9;
	s24 =	smov.u32 s18  }
0x11f: {  	v6 =	vld.idx.msk [tilespmem:v6+s16+$0x0], $0xffff  }
0x120: {  	v9 =	vld [tilespmem:s18+$0xFFFFFF00]  }
0x121: {  	v10 =	vld [tilespmem:s18+$0xFFFFFF20]  }
0x122: {  	v11 =	vld [tilespmem:s18+$0xFFFFFF10]  }
0x123: {  	v12 =	vld [tilespmem:s18+$0xFFFFFF30];
	_ =	sdelay $0x1  }
0x124: {  	v8 =	vmul.f32 v8, v6;
	v9 =	vmul.f32 v9, v6  }
0x125: {  	s19 =	sadd.s32 $0x1, s25;
	v7 =	vmul.f32 v7, v6;
	v10 =	vmul.f32 v10, v6  }
0x126: {  	v4 =	vmul.f32 v4, v6;
	v11 =	vmul.f32 v11, v6;
	[tilespmem:s18+$0xFFFFFF70] =	vst v8;
	v8 =	vmov s19  }
0x127: {  	v5 =	vmul.f32 v5, v6;
	[tilespmem:s18+$0xFFFFFF00] =	vst v9;
	v9 =	vmul.f32 v12, v6;
	v6 =	vand.u32 $0xFFFFFFFD, v8  }
0x128: {  	[tilespmem:s18+$0xFFFFFF20] =	vst v10;
	v6 =	vbroadcast v6, $0x0  }
0x129: {  	[tilespmem:s18+$0xFFFFFF50] =	vst v4  }
0x12a: {  	[tilespmem:s18+$0xFFFFFF40] =	vst v5;
	v4 =	vld [tilespmem:s18+$0xFFFFFFF0]  }
0x12b: {  	[tilespmem:s18+$0xFFFFFF60] =	vst v7;
	v5 =	vld [tilespmem:s18+$0xFFFFFFC0]  }
0x12c: {  	[tilespmem:s18+$0xFFFFFF30] =	vst v9;
	v7 =	vld [tilespmem:s18+$0xFFFFFFD0]  }
0x12d: {  	[tilespmem:s18+$0xFFFFFF10] =	vst v11;
	v8 =	vld [tilespmem:s18+$0xFFFFFF90]  }
0x12e: {  	v6 =	vld.idx.msk [tilespmem:v6+s16+$0x0], $0xffff  }
0x12f: {  	v9 =	vld [tilespmem:s18+$0xFFFFFF80]  }
0x130: {  	v10 =	vld [tilespmem:s18+$0xFFFFFFA0]  }
0x131: {  	v11 =	vld [tilespmem:s18+$0xFFFFFFB0]  }
0x132: {  	v12 =	vld [tilespmem:s18+$0xFFFFFFE0];
	_ =	sdelay $0x1  }
0x133: {  	v8 =	vmul.f32 v8, v6;
	v9 =	vmul.f32 v9, v6  }
0x134: {  	s19 =	sadd.s32 $0x2, s25;
	v7 =	vmul.f32 v7, v6;
	v10 =	vmul.f32 v10, v6  }
0x135: {  	v5 =	vmul.f32 v5, v6;
	[tilespmem:s18+$0xFFFFFF90] =	vst v8;
	v8 =	vmul.f32 v11, v6;
	v11 =	vmov s19  }
0x136: {  	v4 =	vmul.f32 v4, v6;
	[tilespmem:s18+$0xFFFFFFA0] =	vst v10;
	v10 =	vmul.f32 v12, v6;
	v6 =	vand.u32 $0xFFFFFFFE, v11  }
0x137: {  	[tilespmem:s18+$0xFFFFFF80] =	vst v9;
	v6 =	vbroadcast v6, $0x0  }
0x138: {  	[tilespmem:s18+$0xFFFFFFB0] =	vst v8  }
0x139: {  	[tilespmem:s18+$0xFFFFFFC0] =	vst v5  }
0x13a: {  	[tilespmem:s18+$0xFFFFFFD0] =	vst v7  }
.Ltmp2:
0x13b: {  	[tilespmem:s18+$0xFFFFFFF0] =	vst v4;
	v5 =	vld [tilespmem:s18+$0x40];
	(pc) =	sbr.rel @p0 .LBB2_7-.Ltmp2, $4  }
0x13c: {  	[tilespmem:s18+$0xFFFFFFE0] =	vst v10;
	v7 =	vld [tilespmem:s18+$0x60]  }
0x13d: {  	v4 =	vld.idx.msk [tilespmem:v6+s16+$0x0], $0xffff  }
0x13e: {  	v8 =	vld [tilespmem:s18+$0x0]  }
0x13f: {  	v6 =	vld [tilespmem:s18+$0x10]  }
0x140: {  	_ =	sdelay $0x1  }
0x141: {  	v7 =	vmul.f32 v7, v4  }
0x142: {  	v9 =	vld [tilespmem:s24+$0x50];
	v5 =	vmul.f32 v5, v4  }
0x143: {  	v10 =	vld [tilespmem:s24+$0x70];
	v2 =	vmul.f32 v2, v4;
	[tilespmem:s24+$0x60] =	vst v7  }
0x144: {  	v50 =	vmul.f32 v8, v4;
	[tilespmem:s24+$0x40] =	vst v5  }
0x145: {  	s17 =	sadd.s32 $0x3, s25;
	[tilespmem:s24+$0x20] =	vst v2;
	v2 =	vmul.f32 v3, v4  }
0x146: {  	v52 =	vmov s17;
	v6 =	vmul.f32 v6, v4;
	[tilespmem:s24+$0x0] =	vst v50  }
0x147: {  	v51 =	vmul.f32 v9, v4;
	[tilespmem:s24+$0x30] =	vst v2  }
0x148: {  	v53 =	vmul.f32 v10, v4;
	[tilespmem:s24+$0x10] =	vst v6  }
0x149: {  	[tilespmem:s24+$0x50] =	vst v51  }
0x14a: {  	v3 =	vld [tilespmem:s24+$0x80];
	[tilespmem:s24+$0x70] =	vst v53  }
0x14b: {  	v2 =	vld.idx.msk [tilespmem:v52+s16+$0x0], $0xffff  }
0x14c: {  	v54 =	vld [tilespmem:s24+$0xA0]  }
0x14d: {  	v56 =	vld [tilespmem:s24+$0xF0]  }
0x14e: {  	v57 =	vld [tilespmem:s24+$0xE0]  }
0x14f: {  	v55 =	vld [tilespmem:s24+$0xC0]  }
0x150: {  	v59 =	vld [tilespmem:s24+$0xB0];
	v3 =	vmul.f32 v3, v2  }
0x151: {  	v58 =	vld [tilespmem:s24+$0x90];
	v4 =	vmul.f32 v54, v2  }
0x152: {  	v60 =	vld [tilespmem:s24+$0xD0];
	v61 =	vmul.f32 v56, v2;
	[tilespmem:s24+$0x80] =	vst v3  }
0x153: {  	v62 =	vmul.f32 v57, v2;
	[tilespmem:s24+$0xA0] =	vst v4  }
0x154: {  	v3 =	vmul.f32 v55, v2;
	[tilespmem:s24+$0xF0] =	vst v61  }
0x155: {  	v63 =	vmul.f32 v59, v2;
	[tilespmem:s24+$0xE0] =	vst v62  }
0x156: {  	[tilespmem:s24+$0xC0] =	vst v3;
	v3 =	vmul.f32 v58, v2  }
0x157: {  	s23 =	sadd.s32 $0x1, s23;
	[tilespmem:s24+$0xB0] =	vst v63;
	v2 =	vmul.f32 v60, v2  }
0x158: {  	p0 =	sne.s32 s23, $0x4E;
	[tilespmem:s24+$0x90] =	vst v3  }
.Ltmp3:
0x159: {  	[tilespmem:s24+$0xD0] =	vst v2;
	(pc) =	sbr.rel @p0 .LBB2_6-.Ltmp3, $4  }
0x15a: {  	[spmem:s2] =	stream.indirect.scatter.add.f32 [tilespmem:s29], [sflag:$0x2], $0x80, s31, s4, $0xb8;
	[tilespmem:$0x1FE00] =	vst v63  }
0x15b: {  	_ =	swait.ge [sflag:s26], $0x4000  }
0x15c: {  	[sflag:s26] =	ssyncset.done $0x0  }
0x15d: {  	[sflag:s26] =	ssyncadd.s32 $0xFFFFC000  }
0x15e: {  	s17 =	simm.s32 $0x0;
	s18 =	rddreg [dreg:$0xc];
	s19 =	simm.s32 $0x9100  }
0x15f: {  	[tilespmem:s19], [sflag:$0x2] =	stream.linear.gather [hbm4b:s18+s17], $0x10, $0x38;
	[tilespmem:$0x1FE00] =	vst v63  }
0x160: {  	_ =	swait.ge [sflag:s26], $0x10  }
0x161: {  	[sflag:s26] =	ssyncset.done $0x0  }
0x162: {  	s20 =	simm.s32 $0x9180;
	s23 =	rddreg [dreg:$0xe];
	[sflag:s26] =	ssyncadd.s32 $0xFFFFFFF0  }
0x163: {  	[tilespmem:s20], [sflag:$0x2] =	stream.linear.gather [hbm4b:s23+s17], $0x10, $0x38;
	[tilespmem:$0x1FE00] =	vst v63  }
0x164: {  	_ =	swait.ge [sflag:s26], $0x10  }
0x165: {  	[sflag:s26] =	ssyncset.done $0x0  }
0x166: {  	s25 =	simm.s32 $0x9200;
	s24 =	rddreg [dreg:$0xf];
	[sflag:s26] =	ssyncadd.s32 $0xFFFFFFF0  }
0x167: {  	[tilespmem:s25], [sflag:$0x2] =	stream.linear.gather [hbm4b:s24+s17], $0x10, $0x38;
	[tilespmem:$0x1FE00] =	vst v63  }
0x168: {  	_ =	swait.ge [sflag:s26], $0x10  }
0x169: {  	[sflag:s26] =	ssyncset.done $0x0  }
0x16a: {  	s23 =	simm.s32 $0x10;
	s24 =	simm.s32 $0x9280;
	[sflag:s26] =	ssyncadd.s32 $0xFFFFFFF0  }
0x16b: {  	[tilespmem:s24], [sflag:$0x1] =	stream.indirect.gather [hbm4b:s1+s23], $0x80, s25, s23, $0xb8;
	[tilespmem:$0x1FE00] =	vst v63  }
0x16c: {  	_ =	swait.ge [sflag:s5], $0x800  }
0x16d: {  	[sflag:s5] =	ssyncset.done $0x0  }
0x16e: {  	[sflag:s5] =	ssyncadd.s32 $0xFFFFF800  }
0x16f: {  	v2 =	vld [tilespmem:$0x9100]  }
0x170: {  	v3 =	vld [tilespmem:$0x9180];
	_ =	sdelay $0x6  }
0x171: {  	v2 =	vld.idx.msk [tilespmem:v2+s17+$0x0], $0xffff  }
0x172: {  	v4 =	vld.idx.msk [tilespmem:v3+s28+$0x0], $0xffff;
	_ =	sdelay $0x4  }
0x173: {  	v2 =	vadd.f32 v4, v2;
	_ =	sdelay $0x1  }
0x174: {  	v2 =	vmax.f32 v2, $0.0e+00  }
0x175: {  	v2 =	vsub.f32 $0.0e+00, v2;
	_ =	sdelay $0x1  }
0x176: {  	v2 =	vmul.f32 $1.442695020e+00, v2;
	_ =	sdelay $0x1  }
0x177: {  	(erf) = vpow2.f32 v2;
	_ =	sdelay $0x8  }
0x178: {  	v2 =	vpop (erf)  }
0x179: {  	v2 =	vadd.f32 $1.000000000e+00, v2;
	_ =	sdelay $0x1  }
0x17a: {  	(erf) = vrcp.f32 v2;
	_ =	sdelay $0x8  }
0x17b: {  	v2 =	vpop (erf)  }
0x17c: {  	[tilespmem:$0x5080] =	vst v2;
	v2 =	vmov s17  }
0x17d: {  	s17 =	simm.s32 $0x92C0;
	[tilespmem:v3+s6+$0x0] =	vst.idx.msk $0xffff, v1  }
0x17e: {  	v6 =	vld [tilespmem:s17+$0x30]  }
0x17f: {  	v9 =	vld [tilespmem:s17+$0x10]  }
0x180: {  	v7 =	vld [tilespmem:s17+$0xFFFFFFC0]  }
0x181: {  	v3 =	vld.idx.msk [tilespmem:v2+s16+$0x0], $0xffff  }
0x182: {  	v11 =	vld [tilespmem:s17+$0xFFFFFFE0]  }
0x183: {  	v4 =	vld [tilespmem:s17+$0x20]  }
0x184: {  	v5 =	vld [tilespmem:s17+$0xFFFFFFD0]  }
0x185: {  	v2 =	vld [tilespmem:s17+$0xFFFFFFF0]  }
0x186: {  	v10 =	vmul.f32 v6, v3;
	v6 =	vld [tilespmem:s17+$0x0]  }
0x187: {  	v8 =	vmul.f32 v7, v3  }
0x188: {  	s22 =	simm.s32 $0x92C0;
	s18 =	simm.s32 $0x1;
	v7 =	vmul.f32 v11, v3;
	v9 =	vmul.f32 v9, v3  }
.LBB2_10:
0x189: {  	p0 =	sne.s32 s18, $0xF  }
0x18a: {  	v5 =	vmul.f32 v5, v3;
	v4 =	vmul.f32 v4, v3;
	[tilespmem:s17+$0x30] =	vst v10;
	s22 =	sadd.s32 $0x80, s22;
	s19 =	smov.u32 s18;
	s18 =	sadd.s32 $0x1, s18  }
0x18b: {  	[tilespmem:s17+$0xFFFFFFC0] =	vst v8;
	v8 =	vmul.f32 v2, v3;
	v3 =	vmul.f32 v6, v3  }
0x18c: {  	[tilespmem:s17+$0x10] =	vst v9  }
0x18d: {  	v6 =	vmov s19;
	[tilespmem:s17+$0xFFFFFFE0] =	vst v7  }
0x18e: {  	v2 =	vld [tilespmem:s22+$0xFFFFFFF0];
	[tilespmem:s17+$0xFFFFFFF0] =	vst v8  }
0x18f: {  	v7 =	vld [tilespmem:s22+$0x30];
	[tilespmem:s17+$0x0] =	vst v3  }
0x190: {  	v9 =	vld [tilespmem:s22+$0x10];
	[tilespmem:s17+$0x20] =	vst v4  }
0x191: {  	v8 =	vld [tilespmem:s22+$0xFFFFFFC0];
	[tilespmem:s17+$0xFFFFFFD0] =	vst v5;
	s17 =	smov.u32 s22  }
0x192: {  	v3 =	vld.idx.msk [tilespmem:v6+s16+$0x0], $0xffff  }
0x193: {  	v11 =	vld [tilespmem:s22+$0xFFFFFFE0]  }
0x194: {  	v4 =	vld [tilespmem:s22+$0x20]  }
.Ltmp4:
0x195: {  	v5 =	vld [tilespmem:s22+$0xFFFFFFD0];
	(pc) =	sbr.rel @p0 .LBB2_10-.Ltmp4, $3  }
0x196: {  	v6 =	vld [tilespmem:s22+$0x0];
	_ =	sdelay $0x1  }
0x197: {  	v8 =	vmul.f32 v8, v3;
	v10 =	vmul.f32 v7, v3  }
0x198: {  	v9 =	vmul.f32 v9, v3;
	v7 =	vmul.f32 v11, v3  }
0x199: {  	[tilespmem:s17+$0x30] =	vst v10  }
0x19a: {  	[tilespmem:s17+$0xFFFFFFC0] =	vst v8  }
0x19b: {  	v2 =	vmul.f32 v2, v3;
	[tilespmem:s17+$0x10] =	vst v9  }
0x19c: {  	v4 =	vmul.f32 v4, v3;
	[tilespmem:s17+$0xFFFFFFE0] =	vst v7  }
0x19d: {  	v6 =	vmul.f32 v6, v3;
	[tilespmem:s17+$0xFFFFFFF0] =	vst v2  }
0x19e: {  	v2 =	vmul.f32 v5, v3;
	[tilespmem:s17+$0x20] =	vst v4  }
0x19f: {  	[tilespmem:s17+$0x0] =	vst v6  }
0x1a0: {  	[tilespmem:s17+$0xFFFFFFD0] =	vst v2  }
0x1a1: {  	[spmem:s2] =	stream.indirect.scatter.add.f32 [tilespmem:s24], [sflag:$0x2], $0x80, s20, s23, $0xb8;
	[tilespmem:$0x1FE00] =	vst v63  }
0x1a2: {  	_ =	swait.ge [sflag:s26], $0x800  }
0x1a3: {  	[sflag:s26] =	ssyncset.done $0x0  }
0x1a4: {  	[sflag:s26] =	ssyncadd.s32 $0xFFFFF800  }
0x1a5: {  	[bflag:$0x0] =	sbarrier.arrive $0xFFFF  }
0x1a6: {  	[tilespmem:s29], [sflag:$0x2] =	stream.linear.gather [spmem:s10], $0x4000, $0x38;
	[tilespmem:$0x1FE00] =	vst v63  }
0x1a7: {  	_ =	swait.ge [sflag:s26], $0x4000  }
0x1a8: {  	[sflag:s26] =	ssyncset.done $0x0  }
0x1a9: {  	s18 =	rddreg [dreg:$0x7];
	[sflag:s26] =	ssyncadd.s32 $0xFFFFC000  }
0x1aa: {  	[hbm4b:s18+s3] =	stream.linear.scatter [tilespmem:s29], [sflag:$0x2], $0x4000, $0x38;
	[tilespmem:$0x1FE00] =	vst v63  }
0x1ab: {  	_ =	swait.ge [sflag:s26], $0x4000  }
0x1ac: {  	[sflag:s26] =	ssyncset.done $0x0  }
0x1ad: {  	[sflag:s26] =	ssyncadd.s32 $0xFFFFC000  }
0x1ae: {  	[tilespmem:s29], [sflag:$0x2] =	stream.linear.gather [spmem:s12], $0x4000, $0x38;
	[tilespmem:$0x1FE00] =	vst v63  }
0x1af: {  	_ =	swait.ge [sflag:s26], $0x4000  }
0x1b0: {  	[sflag:s26] =	ssyncset.done $0x0  }
0x1b1: {  	s19 =	rddreg [dreg:$0x8];
	[sflag:s26] =	ssyncadd.s32 $0xFFFFC000  }
0x1b2: {  	[hbm4b:s19+s3] =	stream.linear.scatter [tilespmem:s29], [sflag:$0x2], $0x4000, $0x38;
	[tilespmem:$0x1FE00] =	vst v63  }
0x1b3: {  	_ =	swait.ge [sflag:s26], $0x4000  }
0x1b4: {  	[sflag:s26] =	ssyncset.done $0x0  }
0x1b5: {  	[sflag:s26] =	ssyncadd.s32 $0xFFFFC000  }
0x1b6: {  	[tilespmem:s29], [sflag:$0x2] =	stream.linear.gather [spmem:s13], $0x4000, $0x38;
	[tilespmem:$0x1FE00] =	vst v63  }
0x1b7: {  	_ =	swait.ge [sflag:s26], $0x4000  }
0x1b8: {  	[sflag:s26] =	ssyncset.done $0x0  }
0x1b9: {  	s20 =	rddreg [dreg:$0x9];
	[sflag:s26] =	ssyncadd.s32 $0xFFFFC000  }
0x1ba: {  	[hbm4b:s20+s3] =	stream.linear.scatter [tilespmem:s29], [sflag:$0x2], $0x4000, $0x38;
	[tilespmem:$0x1FE00] =	vst v63  }
0x1bb: {  	_ =	swait.ge [sflag:s26], $0x4000  }
0x1bc: {  	[sflag:s26] =	ssyncset.done $0x0  }
0x1bd: {  	[sflag:s26] =	ssyncadd.s32 $0xFFFFC000  }
0x1be: {  	[tilespmem:s29], [sflag:$0x2] =	stream.linear.gather [spmem:s14], $0x4000, $0x38;
	[tilespmem:$0x1FE00] =	vst v63  }
0x1bf: {  	_ =	swait.ge [sflag:s26], $0x4000  }
0x1c0: {  	[sflag:s26] =	ssyncset.done $0x0  }
0x1c1: {  	s22 =	rddreg [dreg:$0xa];
	[sflag:s26] =	ssyncadd.s32 $0xFFFFC000  }
0x1c2: {  	[hbm4b:s22+s3] =	stream.linear.scatter [tilespmem:s29], [sflag:$0x2], $0x4000, $0x38;
	[tilespmem:$0x1FE00] =	vst v63  }
0x1c3: {  	_ =	swait.ge [sflag:s26], $0x4000  }
0x1c4: {  	[sflag:s26] =	ssyncset.done $0x0  }
0x1c5: {  	[sflag:s26] =	ssyncadd.s32 $0xFFFFC000  }
0x1c6: {  	[tilespmem:s29], [sflag:$0x2] =	stream.linear.gather [spmem:s15], $0x3C00, $0x38;
	[tilespmem:$0x1FE00] =	vst v63  }
0x1c7: {  	_ =	swait.ge [sflag:s26], $0x3C00  }
0x1c8: {  	[sflag:s26] =	ssyncset.done $0x0  }
0x1c9: {  	s23 =	rddreg [dreg:$0xb];
	[sflag:s26] =	ssyncadd.s32 $0xFFFFC400  }
0x1ca: {  	[hbm4b:s23+s3] =	stream.linear.scatter [tilespmem:s29], [sflag:$0x2], $0x3C00, $0x38;
	[tilespmem:$0x1FE00] =	vst v63  }
0x1cb: {  	_ =	swait.ge [sflag:s26], $0x3C00  }
0x1cc: {  	[sflag:s26] =	ssyncset.done $0x0  }
0x1cd: {  	s18 =	simm.s32 $0x400;
	s24 =	rddreg [dreg:$0xd];
	[sflag:s26] =	ssyncadd.s32 $0xFFFFC400  }
0x1ce: {  	[hbm4b:s24+s4] =	stream.strided.scatter [tilespmem:s6], [sflag:$0x2], $0x2780, s18, s4, $0x38;
	[tilespmem:$0x1FE00] =	vst v63  }
0x1cf: {  	_ =	swait.ge [sflag:s26], $0x2780  }
0x1d0: {  	s21 =	sadd.s32 $0x1, s21;
	s25 =	rddreg [dreg:$0x10]  }
0x1d1: {  	p0 =	sne.s32 s21, s25  }
.Ltmp5:
0x1d2: {  	_ = 	snop;
	(pc) =	sbr.rel @p0 .LBB2_1-.Ltmp5, $3  }
0x1d3: {  	_ =	sdelay $0x1  }
0x1d4: {  	[sflag:s26] =	ssyncset.done $0x0  }
0x1d5: {  	[sflag:s26] =	ssyncadd.s32 $0xFFFFD880  }
0x1d6: {  	_ =	sfence.sel $0x180000  }
0x1d7: {  	[bflag:$0x0] =	sbarrier.arrive $0xFFFF  }
0x1d8: {  	_ =	strace $0x9000004A  }
0x1d9: {  	s0 =	stileid.u32;
	[bflag:$0x2] =	sbarrier.arrive $0xFFFF  }
0x1da: {  	p0 =	sne.s32 s0, $0x0;
	s0 =	rddreg [dreg:$0x4]  }
0x1db: {  	s0 =	sadd.s32 @!p0 $0x100000, s0  }
0x1dc: {  	[sflag:s0] =	ssyncadd.tile.s32 @!p0 $0x1;
	_ =	shalt  }
.Lfunc_end2:
_tile_overlayer_lowered:
.L_overlay_start_2:
0x1dd: {  	(tag) =	ssettag $0x2  }
0x1de: {  	s0 =	rddreg [dreg:$0x0];
	s2 =	stileid.u32  }
0x1df: {  	s1 =	rddreg [dreg:$0x1];
	p0 =	sne.s32 s2, $0x0  }
0x1e0: {  	s3 =	rddreg [dreg:$0x2];
	[bflag:$0x3] =	sbarrier.arrive $0xFFFF;
	s2 =	simm.s32 @!p0 $0x1C02  }
0x1e1: {  	[timem:s3], [sflag:s2] =	dma.local @!p0 [hbm:s0], s1  }
0x1e2: {  	s0 =	simm.s32 @!p0 $0x2  }
0x1e3: {  	_ =	swait.ge @!p0 [sflag:s0], s1  }
0x1e4: {  	s1 =	ssub.s32 @!p0 $0x0, s1;
	[sflag:s0] =	ssyncset.done @!p0 $0x0  }
0x1e5: {  	[sflag:s0] =	ssyncadd.s32 @!p0 s1  }
0x1e6: {  	[bflag:$0x3] =	sbarrier.arrive $0xFFFF  }
0x1e7: {  	_ =	shalt  }

</sc_bundles>
